<compile_context>
chip_gen: v7x
topology: tpu7x:2x2x1
jax: 0.10.2.dev20260603
libtpu: 0.0.44.dev20260713+nightly
codegen_flags: <defaults>
</compile_context>

<pallas_src>
import functools

import jax
import jax.numpy as jnp
from jax import lax
from jax.experimental import pallas as pl
from jax.experimental.pallas import tpu as pltpu
from jax.experimental.pallas import tpu_sc as plsc

VOCAB = 100000
DIM = 128
BATCH = 4096
HIST = 50

_NC = 2
_NS = 16
_NW = _NC * _NS

_SPAN = BATCH // _NW
_NBUF = 7
_STEADY = (HIST - _NBUF) // _NBUF


def _embed_grid(idx_hbm, table_hbm, out_hbm, idx_v, *bufs):
    rows = bufs[:_NBUF]
    gsem = bufs[_NBUF:2 * _NBUF]
    ssem = bufs[2 * _NBUF:]
    w = lax.axis_index("s") * _NC + lax.axis_index("c")
    col0 = w * _SPAN
    pltpu.sync_copy(idx_hbm.at[:, pl.ds(col0, _SPAN)], idx_v)

    def start_gather(b, h):
        pltpu.async_copy(table_hbm.at[idx_v.at[h]], rows[b], gsem[b])

    def wait_gather(b):
        pltpu.make_async_copy(table_hbm.at[pl.ds(0, _SPAN)], rows[b],
                              gsem[b]).wait()

    def start_store(b, h):
        pltpu.async_copy(rows[b], out_hbm.at[h, pl.ds(col0, _SPAN)], ssem[b])

    def wait_store(b):
        pltpu.make_async_copy(rows[b], out_hbm.at[0, pl.ds(col0, _SPAN)],
                              ssem[b]).wait()

    for b in range(_NBUF):
        start_gather(b, b)

    def outer(t, carry):
        for b in range(_NBUF):
            h = t * _NBUF + b
            wait_gather(b)
            start_store(b, h)
            wait_store(b)
            start_gather(b, h + _NBUF)
        return carry

    lax.fori_loop(0, _STEADY, outer, 0)
    for h in range(_STEADY * _NBUF, HIST):
        b = h % _NBUF
        wait_gather(b)
        start_store(b, h)
        if h + _NBUF < HIST:
            wait_store(b)
            start_gather(b, h + _NBUF)
    for b in range(_NBUF):
        wait_store(b)


@jax.jit
def _embed(idx_t, table):
    mesh = plsc.VectorSubcoreMesh(core_axis_name="c", subcore_axis_name="s")
    k = functools.partial(
        pl.kernel,
        out_type=jax.ShapeDtypeStruct((HIST, BATCH, DIM), jnp.float32),
        mesh=mesh,
        scratch_types=(
            [pltpu.VMEM((HIST, _SPAN), jnp.int32)]
            + [pltpu.VMEM((_SPAN, DIM), jnp.float32) for _ in range(_NBUF)]
            + [pltpu.SemaphoreType.DMA for _ in range(2 * _NBUF)]
        ),
    )(_embed_grid)
    out = k(idx_t, table)
    return jnp.transpose(out, (1, 0, 2))


def kernel(word_vector, weight):
    return _embed(word_vector.T.astype(jnp.int32), weight)

# --- scband reference (transcript-rebuilt; emitter-appended) ---
"""Pipeline reference for scband-embedding-24232205484612 (READ-ONLY COPY).

The authoritative reference and input builder live on the scoring server;
editing this copy changes nothing except your own understanding.
"""

import jax, jax.numpy as jnp
import numpy as np

VOCAB = 100000
DIM = 128
BATCH = 4096
HIST = 50

def setup_inputs(seed: int = 0) -> dict:
    key = jax.random.key(seed)
    k_idx, k_w = jax.random.split(key)
    word_vector = jax.random.randint(k_idx, (BATCH, HIST), 0, VOCAB, dtype=jnp.int64 if jax.config.jax_enable_x64 else jnp.int32)
    weight = jax.random.normal(k_w, (VOCAB, DIM), dtype=jnp.float32)
    return {"word_vector": word_vector, "weight": weight}

def reference(word_vector, weight):
    # nn.Embedding forward: gather rows of the table by index
    return jnp.take(weight, word_vector, axis=0)

if __name__ == "__main__":
    import jax
    _d = setup_inputs()
    print(jax.jit(kernel)(*tuple(_d.values())))

</pallas_src>

<mosaic_0001>
#map = affine_map<(d0, d1) -> (0, 0)>
#map1 = affine_map<(d0, d1) -> (0, 0, 0)>
module attributes {stable_mosaic.version = 14 : i64} {
  func.func @_embed_grid(%arg0: i32, %arg1: i32, %arg2: memref<50x4096xi32, #tpu.memory_space<hbm>>, %arg3: memref<100000x128xf32, #tpu.memory_space<hbm>>, %arg4: memref<50x4096x128xf32, #tpu.memory_space<hbm>>, %arg5: memref<50x128xi32, #tpu.memory_space<vmem>>, %arg6: memref<128x128xf32, #tpu.memory_space<vmem>>, %arg7: memref<128x128xf32, #tpu.memory_space<vmem>>, %arg8: memref<128x128xf32, #tpu.memory_space<vmem>>, %arg9: memref<128x128xf32, #tpu.memory_space<vmem>>, %arg10: memref<128x128xf32, #tpu.memory_space<vmem>>, %arg11: memref<128x128xf32, #tpu.memory_space<vmem>>, %arg12: memref<128x128xf32, #tpu.memory_space<vmem>>, %arg13: memref<!tpu.dma_semaphore, #tpu.memory_space<semaphore_mem>>, %arg14: memref<!tpu.dma_semaphore, #tpu.memory_space<semaphore_mem>>, %arg15: memref<!tpu.dma_semaphore, #tpu.memory_space<semaphore_mem>>, %arg16: memref<!tpu.dma_semaphore, #tpu.memory_space<semaphore_mem>>, %arg17: memref<!tpu.dma_semaphore, #tpu.memory_space<semaphore_mem>>, %arg18: memref<!tpu.dma_semaphore, #tpu.memory_space<semaphore_mem>>, %arg19: memref<!tpu.dma_semaphore, #tpu.memory_space<semaphore_mem>>, %arg20: memref<!tpu.dma_semaphore, #tpu.memory_space<semaphore_mem>>, %arg21: memref<!tpu.dma_semaphore, #tpu.memory_space<semaphore_mem>>, %arg22: memref<!tpu.dma_semaphore, #tpu.memory_space<semaphore_mem>>, %arg23: memref<!tpu.dma_semaphore, #tpu.memory_space<semaphore_mem>>, %arg24: memref<!tpu.dma_semaphore, #tpu.memory_space<semaphore_mem>>, %arg25: memref<!tpu.dma_semaphore, #tpu.memory_space<semaphore_mem>>, %arg26: memref<!tpu.dma_semaphore, #tpu.memory_space<semaphore_mem>>) attributes {dimension_semantics = [#tpu.dimension_semantics<core_parallel>, #tpu.dimension_semantics<subcore_parallel>], iteration_bounds = array<i64: 2, 16>, scalar_prefetch = 0 : i64, scratch_operands = 22 : i64, tpu.core_type = #tpu.core_type<sc_vector_subcore>, window_params = [{transform_indices = #map}, {transform_indices = #map}, {transform_indices = #map1}]} {
    %mul3A = arith.constant 2 : i32
    %mul3A_0 = arith.muli %arg1, %mul3A : i32
    %add3A = arith.addi %mul3A_0, %arg0 : i32
    %mul3A_1 = arith.constant 128 : i32
    %mul3A_2 = arith.muli %add3A, %mul3A_1 : i32
    "tpu.region"() ({
      %run_scoped3A = tpu.sem_alloc : memref<!tpu.dma_semaphore, #tpu.memory_space<semaphore_mem>>
      %dma_start3A_222 = arith.constant 0 : i32
      %dma_start3A_223 = tpu.memref_slice %arg2[%dma_start3A_222, %mul3A_2] : memref<50x4096xi32, #tpu.memory_space<hbm>> -> memref<50x128xi32, #tpu.memory_space<hbm>>
      %dma_start3A_224 = arith.constant 0 : i32
      %dma_start3A_225 = tpu.memref_slice %arg2[%dma_start3A_224, %mul3A_2] : memref<50x4096xi32, #tpu.memory_space<hbm>> -> memref<50x128xi32, #tpu.memory_space<hbm>>
      tpu.enqueue_dma source(%dma_start3A_225 : memref<50x128xi32, #tpu.memory_space<hbm>>) target(%arg5 : memref<50x128xi32, #tpu.memory_space<vmem>>) target_semaphore(%run_scoped3A : memref<!tpu.dma_semaphore, #tpu.memory_space<semaphore_mem>>)
      %dma_wait3A_226 = arith.constant 0 : i32
      %dma_wait3A_227 = tpu.memref_slice %arg2[%dma_wait3A_226, %mul3A_2] : memref<50x4096xi32, #tpu.memory_space<hbm>> -> memref<50x128xi32, #tpu.memory_space<hbm>>
      %dma_wait3A_228 = arith.constant 0 : i32
      %dma_wait3A_229 = tpu.memref_slice %arg2[%dma_wait3A_228, %mul3A_2] : memref<50x4096xi32, #tpu.memory_space<hbm>> -> memref<50x128xi32, #tpu.memory_space<hbm>>
      tpu.wait_dma2 semaphore(%run_scoped3A : memref<!tpu.dma_semaphore, #tpu.memory_space<semaphore_mem>>) src(%dma_wait3A_229 : memref<50x128xi32, #tpu.memory_space<hbm>>) dst(%arg5 : memref<50x128xi32, #tpu.memory_space<vmem>>)
      tpu.yield
    }) : () -> ()
    %dma_start3A = arith.constant 0 : i32
    %dma_start3A_3 = arith.constant 0 : i32
    %dma_start3A_4 = tpu.memref_slice %arg5[%dma_start3A, %dma_start3A_3] : memref<50x128xi32, #tpu.memory_space<vmem>> -> memref<1x128xi32, #tpu.memory_space<vmem>>
    %dma_start3A_5 = tpu.memref_squeeze %dma_start3A_4 : memref<1x128xi32, #tpu.memory_space<vmem>> -> memref<128xi32, #tpu.memory_space<vmem>>
    %dma_start3A_6 = arith.constant 0 : i32
    %dma_start3A_7 = arith.constant 0 : i32
    %dma_start3A_8 = tpu.memref_slice %arg3[%dma_start3A_6, %dma_start3A_7] : memref<100000x128xf32, #tpu.memory_space<hbm>> -> memref<100000x128xf32, #tpu.memory_space<hbm>>
    tpu.enqueue_indirect_dma source(%dma_start3A_8 : memref<100000x128xf32, #tpu.memory_space<hbm>>) target(%arg6 : memref<128x128xf32, #tpu.memory_space<vmem>>) offsets(%dma_start3A_5 : memref<128xi32, #tpu.memory_space<vmem>>) semaphore(%arg13 : memref<!tpu.dma_semaphore, #tpu.memory_space<semaphore_mem>>)
    %dma_start3A_9 = arith.constant 1 : i32
    %dma_start3A_10 = arith.constant 0 : i32
    %dma_start3A_11 = tpu.memref_slice %arg5[%dma_start3A_9, %dma_start3A_10] : memref<50x128xi32, #tpu.memory_space<vmem>> -> memref<1x128xi32, #tpu.memory_space<vmem>>
    %dma_start3A_12 = tpu.memref_squeeze %dma_start3A_11 : memref<1x128xi32, #tpu.memory_space<vmem>> -> memref<128xi32, #tpu.memory_space<vmem>>
    %dma_start3A_13 = arith.constant 0 : i32
    %dma_start3A_14 = arith.constant 0 : i32
    %dma_start3A_15 = tpu.memref_slice %arg3[%dma_start3A_13, %dma_start3A_14] : memref<100000x128xf32, #tpu.memory_space<hbm>> -> memref<100000x128xf32, #tpu.memory_space<hbm>>
    tpu.enqueue_indirect_dma source(%dma_start3A_15 : memref<100000x128xf32, #tpu.memory_space<hbm>>) target(%arg7 : memref<128x128xf32, #tpu.memory_space<vmem>>) offsets(%dma_start3A_12 : memref<128xi32, #tpu.memory_space<vmem>>) semaphore(%arg14 : memref<!tpu.dma_semaphore, #tpu.memory_space<semaphore_mem>>)
    %dma_start3A_16 = arith.constant 2 : i32
    %dma_start3A_17 = arith.constant 0 : i32
    %dma_start3A_18 = tpu.memref_slice %arg5[%dma_start3A_16, %dma_start3A_17] : memref<50x128xi32, #tpu.memory_space<vmem>> -> memref<1x128xi32, #tpu.memory_space<vmem>>
    %dma_start3A_19 = tpu.memref_squeeze %dma_start3A_18 : memref<1x128xi32, #tpu.memory_space<vmem>> -> memref<128xi32, #tpu.memory_space<vmem>>
    %dma_start3A_20 = arith.constant 0 : i32
    %dma_start3A_21 = arith.constant 0 : i32
    %dma_start3A_22 = tpu.memref_slice %arg3[%dma_start3A_20, %dma_start3A_21] : memref<100000x128xf32, #tpu.memory_space<hbm>> -> memref<100000x128xf32, #tpu.memory_space<hbm>>
    tpu.enqueue_indirect_dma source(%dma_start3A_22 : memref<100000x128xf32, #tpu.memory_space<hbm>>) target(%arg8 : memref<128x128xf32, #tpu.memory_space<vmem>>) offsets(%dma_start3A_19 : memref<128xi32, #tpu.memory_space<vmem>>) semaphore(%arg15 : memref<!tpu.dma_semaphore, #tpu.memory_space<semaphore_mem>>)
    %dma_start3A_23 = arith.constant 3 : i32
    %dma_start3A_24 = arith.constant 0 : i32
    %dma_start3A_25 = tpu.memref_slice %arg5[%dma_start3A_23, %dma_start3A_24] : memref<50x128xi32, #tpu.memory_space<vmem>> -> memref<1x128xi32, #tpu.memory_space<vmem>>
    %dma_start3A_26 = tpu.memref_squeeze %dma_start3A_25 : memref<1x128xi32, #tpu.memory_space<vmem>> -> memref<128xi32, #tpu.memory_space<vmem>>
    %dma_start3A_27 = arith.constant 0 : i32
    %dma_start3A_28 = arith.constant 0 : i32
    %dma_start3A_29 = tpu.memref_slice %arg3[%dma_start3A_27, %dma_start3A_28] : memref<100000x128xf32, #tpu.memory_space<hbm>> -> memref<100000x128xf32, #tpu.memory_space<hbm>>
    tpu.enqueue_indirect_dma source(%dma_start3A_29 : memref<100000x128xf32, #tpu.memory_space<hbm>>) target(%arg9 : memref<128x128xf32, #tpu.memory_space<vmem>>) offsets(%dma_start3A_26 : memref<128xi32, #tpu.memory_space<vmem>>) semaphore(%arg16 : memref<!tpu.dma_semaphore, #tpu.memory_space<semaphore_mem>>)
    %dma_start3A_30 = arith.constant 4 : i32
    %dma_start3A_31 = arith.constant 0 : i32
    %dma_start3A_32 = tpu.memref_slice %arg5[%dma_start3A_30, %dma_start3A_31] : memref<50x128xi32, #tpu.memory_space<vmem>> -> memref<1x128xi32, #tpu.memory_space<vmem>>
    %dma_start3A_33 = tpu.memref_squeeze %dma_start3A_32 : memref<1x128xi32, #tpu.memory_space<vmem>> -> memref<128xi32, #tpu.memory_space<vmem>>
    %dma_start3A_34 = arith.constant 0 : i32
    %dma_start3A_35 = arith.constant 0 : i32
    %dma_start3A_36 = tpu.memref_slice %arg3[%dma_start3A_34, %dma_start3A_35] : memref<100000x128xf32, #tpu.memory_space<hbm>> -> memref<100000x128xf32, #tpu.memory_space<hbm>>
    tpu.enqueue_indirect_dma source(%dma_start3A_36 : memref<100000x128xf32, #tpu.memory_space<hbm>>) target(%arg10 : memref<128x128xf32, #tpu.memory_space<vmem>>) offsets(%dma_start3A_33 : memref<128xi32, #tpu.memory_space<vmem>>) semaphore(%arg17 : memref<!tpu.dma_semaphore, #tpu.memory_space<semaphore_mem>>)
    %dma_start3A_37 = arith.constant 5 : i32
    %dma_start3A_38 = arith.constant 0 : i32
    %dma_start3A_39 = tpu.memref_slice %arg5[%dma_start3A_37, %dma_start3A_38] : memref<50x128xi32, #tpu.memory_space<vmem>> -> memref<1x128xi32, #tpu.memory_space<vmem>>
    %dma_start3A_40 = tpu.memref_squeeze %dma_start3A_39 : memref<1x128xi32, #tpu.memory_space<vmem>> -> memref<128xi32, #tpu.memory_space<vmem>>
    %dma_start3A_41 = arith.constant 0 : i32
    %dma_start3A_42 = arith.constant 0 : i32
    %dma_start3A_43 = tpu.memref_slice %arg3[%dma_start3A_41, %dma_start3A_42] : memref<100000x128xf32, #tpu.memory_space<hbm>> -> memref<100000x128xf32, #tpu.memory_space<hbm>>
    tpu.enqueue_indirect_dma source(%dma_start3A_43 : memref<100000x128xf32, #tpu.memory_space<hbm>>) target(%arg11 : memref<128x128xf32, #tpu.memory_space<vmem>>) offsets(%dma_start3A_40 : memref<128xi32, #tpu.memory_space<vmem>>) semaphore(%arg18 : memref<!tpu.dma_semaphore, #tpu.memory_space<semaphore_mem>>)
    %dma_start3A_44 = arith.constant 6 : i32
    %dma_start3A_45 = arith.constant 0 : i32
    %dma_start3A_46 = tpu.memref_slice %arg5[%dma_start3A_44, %dma_start3A_45] : memref<50x128xi32, #tpu.memory_space<vmem>> -> memref<1x128xi32, #tpu.memory_space<vmem>>
    %dma_start3A_47 = tpu.memref_squeeze %dma_start3A_46 : memref<1x128xi32, #tpu.memory_space<vmem>> -> memref<128xi32, #tpu.memory_space<vmem>>
    %dma_start3A_48 = arith.constant 0 : i32
    %dma_start3A_49 = arith.constant 0 : i32
    %dma_start3A_50 = tpu.memref_slice %arg3[%dma_start3A_48, %dma_start3A_49] : memref<100000x128xf32, #tpu.memory_space<hbm>> -> memref<100000x128xf32, #tpu.memory_space<hbm>>
    tpu.enqueue_indirect_dma source(%dma_start3A_50 : memref<100000x128xf32, #tpu.memory_space<hbm>>) target(%arg12 : memref<128x128xf32, #tpu.memory_space<vmem>>) offsets(%dma_start3A_47 : memref<128xi32, #tpu.memory_space<vmem>>) semaphore(%arg19 : memref<!tpu.dma_semaphore, #tpu.memory_space<semaphore_mem>>)
    %scan3A = arith.constant 0 : i32
    %scan3A_51 = arith.constant 0 : i32
    %scan3A_52 = arith.constant 6 : i32
    %scan3A_53 = arith.addi %scan3A_51, %scan3A_52 : i32
    %scan3A_54 = arith.constant 1 : i32
    scf.for %scan3A_222 = %scan3A_51 to %scan3A_53 step %scan3A_54  : i32 {
      %mul3A_223 = arith.constant 7 : i32
      %mul3A_224 = arith.muli %scan3A_222, %mul3A_223 : i32
      %add3A_225 = arith.constant 0 : i32
      %add3A_226 = arith.addi %mul3A_224, %add3A_225 : i32
      %dma_wait3A_227 = arith.constant 0 : i32
      %dma_wait3A_228 = arith.constant 0 : i32
      %dma_wait3A_229 = tpu.memref_slice %arg3[%dma_wait3A_227, %dma_wait3A_228] : memref<100000x128xf32, #tpu.memory_space<hbm>> -> memref<128x128xf32, #tpu.memory_space<hbm>>
      %dma_wait3A_230 = arith.constant 0 : i32
      %dma_wait3A_231 = arith.constant 0 : i32
      %dma_wait3A_232 = tpu.memref_slice %arg3[%dma_wait3A_230, %dma_wait3A_231] : memref<100000x128xf32, #tpu.memory_space<hbm>> -> memref<128x128xf32, #tpu.memory_space<hbm>>
      tpu.wait_dma2 semaphore(%arg13 : memref<!tpu.dma_semaphore, #tpu.memory_space<semaphore_mem>>) src(%dma_wait3A_232 : memref<128x128xf32, #tpu.memory_space<hbm>>) dst(%arg6 : memref<128x128xf32, #tpu.memory_space<vmem>>)
      %dma_start3A_233 = arith.constant 0 : i32
      %dma_start3A_234 = tpu.memref_slice %arg4[%add3A_226, %mul3A_2, %dma_start3A_233] : memref<50x4096x128xf32, #tpu.memory_space<hbm>> -> memref<1x128x128xf32, #tpu.memory_space<hbm>>
      %dma_start3A_235 = tpu.memref_squeeze %dma_start3A_234 : memref<1x128x128xf32, #tpu.memory_space<hbm>> -> memref<128x128xf32, #tpu.memory_space<hbm>>
      %dma_start3A_236 = arith.constant 0 : i32
      %dma_start3A_237 = tpu.memref_slice %arg4[%add3A_226, %mul3A_2, %dma_start3A_236] : memref<50x4096x128xf32, #tpu.memory_space<hbm>> -> memref<1x128x128xf32, #tpu.memory_space<hbm>>
      %dma_start3A_238 = tpu.memref_squeeze %dma_start3A_237 : memref<1x128x128xf32, #tpu.memory_space<hbm>> -> memref<128x128xf32, #tpu.memory_space<hbm>>
      tpu.enqueue_dma source(%arg6 : memref<128x128xf32, #tpu.memory_space<vmem>>) target(%dma_start3A_238 : memref<128x128xf32, #tpu.memory_space<hbm>>) target_semaphore(%arg20 : memref<!tpu.dma_semaphore, #tpu.memory_space<semaphore_mem>>)
      %dma_wait3A_239 = arith.constant 0 : i32
      %dma_wait3A_240 = arith.constant 0 : i32
      %dma_wait3A_241 = tpu.memref_slice %arg4[%dma_wait3A_239, %mul3A_2, %dma_wait3A_240] : memref<50x4096x128xf32, #tpu.memory_space<hbm>> -> memref<1x128x128xf32, #tpu.memory_space<hbm>>
      %dma_wait3A_242 = tpu.memref_squeeze %dma_wait3A_241 : memref<1x128x128xf32, #tpu.memory_space<hbm>> -> memref<128x128xf32, #tpu.memory_space<hbm>>
      %dma_wait3A_243 = arith.constant 0 : i32
      %dma_wait3A_244 = tpu.memref_slice %arg4[%dma_wait3A_239, %mul3A_2, %dma_wait3A_243] : memref<50x4096x128xf32, #tpu.memory_space<hbm>> -> memref<1x128x128xf32, #tpu.memory_space<hbm>>
      %dma_wait3A_245 = tpu.memref_squeeze %dma_wait3A_244 : memref<1x128x128xf32, #tpu.memory_space<hbm>> -> memref<128x128xf32, #tpu.memory_space<hbm>>
      tpu.wait_dma2 semaphore(%arg20 : memref<!tpu.dma_semaphore, #tpu.memory_space<semaphore_mem>>) src(%arg6 : memref<128x128xf32, #tpu.memory_space<vmem>>) dst(%dma_wait3A_245 : memref<128x128xf32, #tpu.memory_space<hbm>>)
      %add3A_246 = arith.constant 7 : i32
      %add3A_247 = arith.addi %add3A_226, %add3A_246 : i32
      %dma_start3A_248 = arith.constant 0 : i32
      %dma_start3A_249 = tpu.memref_slice %arg5[%add3A_247, %dma_start3A_248] : memref<50x128xi32, #tpu.memory_space<vmem>> -> memref<1x128xi32, #tpu.memory_space<vmem>>
      %dma_start3A_250 = tpu.memref_squeeze %dma_start3A_249 : memref<1x128xi32, #tpu.memory_space<vmem>> -> memref<128xi32, #tpu.memory_space<vmem>>
      %dma_start3A_251 = arith.constant 0 : i32
      %dma_start3A_252 = arith.constant 0 : i32
      %dma_start3A_253 = tpu.memref_slice %arg3[%dma_start3A_251, %dma_start3A_252] : memref<100000x128xf32, #tpu.memory_space<hbm>> -> memref<100000x128xf32, #tpu.memory_space<hbm>>
      tpu.enqueue_indirect_dma source(%dma_start3A_253 : memref<100000x128xf32, #tpu.memory_space<hbm>>) target(%arg6 : memref<128x128xf32, #tpu.memory_space<vmem>>) offsets(%dma_start3A_250 : memref<128xi32, #tpu.memory_space<vmem>>) semaphore(%arg13 : memref<!tpu.dma_semaphore, #tpu.memory_space<semaphore_mem>>)
      %mul3A_254 = arith.constant 7 : i32
      %mul3A_255 = arith.muli %scan3A_222, %mul3A_254 : i32
      %add3A_256 = arith.constant 1 : i32
      %add3A_257 = arith.addi %mul3A_255, %add3A_256 : i32
      %dma_wait3A_258 = arith.constant 0 : i32
      %dma_wait3A_259 = arith.constant 0 : i32
      %dma_wait3A_260 = tpu.memref_slice %arg3[%dma_wait3A_258, %dma_wait3A_259] : memref<100000x128xf32, #tpu.memory_space<hbm>> -> memref<128x128xf32, #tpu.memory_space<hbm>>
      %dma_wait3A_261 = arith.constant 0 : i32
      %dma_wait3A_262 = arith.constant 0 : i32
      %dma_wait3A_263 = tpu.memref_slice %arg3[%dma_wait3A_261, %dma_wait3A_262] : memref<100000x128xf32, #tpu.memory_space<hbm>> -> memref<128x128xf32, #tpu.memory_space<hbm>>
      tpu.wait_dma2 semaphore(%arg14 : memref<!tpu.dma_semaphore, #tpu.memory_space<semaphore_mem>>) src(%dma_wait3A_263 : memref<128x128xf32, #tpu.memory_space<hbm>>) dst(%arg7 : memref<128x128xf32, #tpu.memory_space<vmem>>)
      %dma_start3A_264 = arith.constant 0 : i32
      %dma_start3A_265 = tpu.memref_slice %arg4[%add3A_257, %mul3A_2, %dma_start3A_264] : memref<50x4096x128xf32, #tpu.memory_space<hbm>> -> memref<1x128x128xf32, #tpu.memory_space<hbm>>
      %dma_start3A_266 = tpu.memref_squeeze %dma_start3A_265 : memref<1x128x128xf32, #tpu.memory_space<hbm>> -> memref<128x128xf32, #tpu.memory_space<hbm>>
      %dma_start3A_267 = arith.constant 0 : i32
      %dma_start3A_268 = tpu.memref_slice %arg4[%add3A_257, %mul3A_2, %dma_start3A_267] : memref<50x4096x128xf32, #tpu.memory_space<hbm>> -> memref<1x128x128xf32, #tpu.memory_space<hbm>>
      %dma_start3A_269 = tpu.memref_squeeze %dma_start3A_268 : memref<1x128x128xf32, #tpu.memory_space<hbm>> -> memref<128x128xf32, #tpu.memory_space<hbm>>
      tpu.enqueue_dma source(%arg7 : memref<128x128xf32, #tpu.memory_space<vmem>>) target(%dma_start3A_269 : memref<128x128xf32, #tpu.memory_space<hbm>>) target_semaphore(%arg21 : memref<!tpu.dma_semaphore, #tpu.memory_space<semaphore_mem>>)
      %dma_wait3A_270 = arith.constant 0 : i32
      %dma_wait3A_271 = arith.constant 0 : i32
      %dma_wait3A_272 = tpu.memref_slice %arg4[%dma_wait3A_270, %mul3A_2, %dma_wait3A_271] : memref<50x4096x128xf32, #tpu.memory_space<hbm>> -> memref<1x128x128xf32, #tpu.memory_space<hbm>>
      %dma_wait3A_273 = tpu.memref_squeeze %dma_wait3A_272 : memref<1x128x128xf32, #tpu.memory_space<hbm>> -> memref<128x128xf32, #tpu.memory_space<hbm>>
      %dma_wait3A_274 = arith.constant 0 : i32
      %dma_wait3A_275 = tpu.memref_slice %arg4[%dma_wait3A_270, %mul3A_2, %dma_wait3A_274] : memref<50x4096x128xf32, #tpu.memory_space<hbm>> -> memref<1x128x128xf32, #tpu.memory_space<hbm>>
      %dma_wait3A_276 = tpu.memref_squeeze %dma_wait3A_275 : memref<1x128x128xf32, #tpu.memory_space<hbm>> -> memref<128x128xf32, #tpu.memory_space<hbm>>
      tpu.wait_dma2 semaphore(%arg21 : memref<!tpu.dma_semaphore, #tpu.memory_space<semaphore_mem>>) src(%arg7 : memref<128x128xf32, #tpu.memory_space<vmem>>) dst(%dma_wait3A_276 : memref<128x128xf32, #tpu.memory_space<hbm>>)
      %add3A_277 = arith.constant 7 : i32
      %add3A_278 = arith.addi %add3A_257, %add3A_277 : i32
      %dma_start3A_279 = arith.constant 0 : i32
      %dma_start3A_280 = tpu.memref_slice %arg5[%add3A_278, %dma_start3A_279] : memref<50x128xi32, #tpu.memory_space<vmem>> -> memref<1x128xi32, #tpu.memory_space<vmem>>
      %dma_start3A_281 = tpu.memref_squeeze %dma_start3A_280 : memref<1x128xi32, #tpu.memory_space<vmem>> -> memref<128xi32, #tpu.memory_space<vmem>>
      %dma_start3A_282 = arith.constant 0 : i32
      %dma_start3A_283 = arith.constant 0 : i32
      %dma_start3A_284 = tpu.memref_slice %arg3[%dma_start3A_282, %dma_start3A_283] : memref<100000x128xf32, #tpu.memory_space<hbm>> -> memref<100000x128xf32, #tpu.memory_space<hbm>>
      tpu.enqueue_indirect_dma source(%dma_start3A_284 : memref<100000x128xf32, #tpu.memory_space<hbm>>) target(%arg7 : memref<128x128xf32, #tpu.memory_space<vmem>>) offsets(%dma_start3A_281 : memref<128xi32, #tpu.memory_space<vmem>>) semaphore(%arg14 : memref<!tpu.dma_semaphore, #tpu.memory_space<semaphore_mem>>)
      %mul3A_285 = arith.constant 7 : i32
      %mul3A_286 = arith.muli %scan3A_222, %mul3A_285 : i32
      %add3A_287 = arith.constant 2 : i32
      %add3A_288 = arith.addi %mul3A_286, %add3A_287 : i32
      %dma_wait3A_289 = arith.constant 0 : i32
      %dma_wait3A_290 = arith.constant 0 : i32
      %dma_wait3A_291 = tpu.memref_slice %arg3[%dma_wait3A_289, %dma_wait3A_290] : memref<100000x128xf32, #tpu.memory_space<hbm>> -> memref<128x128xf32, #tpu.memory_space<hbm>>
      %dma_wait3A_292 = arith.constant 0 : i32
      %dma_wait3A_293 = arith.constant 0 : i32
      %dma_wait3A_294 = tpu.memref_slice %arg3[%dma_wait3A_292, %dma_wait3A_293] : memref<100000x128xf32, #tpu.memory_space<hbm>> -> memref<128x128xf32, #tpu.memory_space<hbm>>
      tpu.wait_dma2 semaphore(%arg15 : memref<!tpu.dma_semaphore, #tpu.memory_space<semaphore_mem>>) src(%dma_wait3A_294 : memref<128x128xf32, #tpu.memory_space<hbm>>) dst(%arg8 : memref<128x128xf32, #tpu.memory_space<vmem>>)
      %dma_start3A_295 = arith.constant 0 : i32
      %dma_start3A_296 = tpu.memref_slice %arg4[%add3A_288, %mul3A_2, %dma_start3A_295] : memref<50x4096x128xf32, #tpu.memory_space<hbm>> -> memref<1x128x128xf32, #tpu.memory_space<hbm>>
      %dma_start3A_297 = tpu.memref_squeeze %dma_start3A_296 : memref<1x128x128xf32, #tpu.memory_space<hbm>> -> memref<128x128xf32, #tpu.memory_space<hbm>>
      %dma_start3A_298 = arith.constant 0 : i32
      %dma_start3A_299 = tpu.memref_slice %arg4[%add3A_288, %mul3A_2, %dma_start3A_298] : memref<50x4096x128xf32, #tpu.memory_space<hbm>> -> memref<1x128x128xf32, #tpu.memory_space<hbm>>
      %dma_start3A_300 = tpu.memref_squeeze %dma_start3A_299 : memref<1x128x128xf32, #tpu.memory_space<hbm>> -> memref<128x128xf32, #tpu.memory_space<hbm>>
      tpu.enqueue_dma source(%arg8 : memref<128x128xf32, #tpu.memory_space<vmem>>) target(%dma_start3A_300 : memref<128x128xf32, #tpu.memory_space<hbm>>) target_semaphore(%arg22 : memref<!tpu.dma_semaphore, #tpu.memory_space<semaphore_mem>>)
      %dma_wait3A_301 = arith.constant 0 : i32
      %dma_wait3A_302 = arith.constant 0 : i32
      %dma_wait3A_303 = tpu.memref_slice %arg4[%dma_wait3A_301, %mul3A_2, %dma_wait3A_302] : memref<50x4096x128xf32, #tpu.memory_space<hbm>> -> memref<1x128x128xf32, #tpu.memory_space<hbm>>
      %dma_wait3A_304 = tpu.memref_squeeze %dma_wait3A_303 : memref<1x128x128xf32, #tpu.memory_space<hbm>> -> memref<128x128xf32, #tpu.memory_space<hbm>>
      %dma_wait3A_305 = arith.constant 0 : i32
      %dma_wait3A_306 = tpu.memref_slice %arg4[%dma_wait3A_301, %mul3A_2, %dma_wait3A_305] : memref<50x4096x128xf32, #tpu.memory_space<hbm>> -> memref<1x128x128xf32, #tpu.memory_space<hbm>>
      %dma_wait3A_307 = tpu.memref_squeeze %dma_wait3A_306 : memref<1x128x128xf32, #tpu.memory_space<hbm>> -> memref<128x128xf32, #tpu.memory_space<hbm>>
      tpu.wait_dma2 semaphore(%arg22 : memref<!tpu.dma_semaphore, #tpu.memory_space<semaphore_mem>>) src(%arg8 : memref<128x128xf32, #tpu.memory_space<vmem>>) dst(%dma_wait3A_307 : memref<128x128xf32, #tpu.memory_space<hbm>>)
      %add3A_308 = arith.constant 7 : i32
      %add3A_309 = arith.addi %add3A_288, %add3A_308 : i32
      %dma_start3A_310 = arith.constant 0 : i32
      %dma_start3A_311 = tpu.memref_slice %arg5[%add3A_309, %dma_start3A_310] : memref<50x128xi32, #tpu.memory_space<vmem>> -> memref<1x128xi32, #tpu.memory_space<vmem>>
      %dma_start3A_312 = tpu.memref_squeeze %dma_start3A_311 : memref<1x128xi32, #tpu.memory_space<vmem>> -> memref<128xi32, #tpu.memory_space<vmem>>
      %dma_start3A_313 = arith.constant 0 : i32
      %dma_start3A_314 = arith.constant 0 : i32
      %dma_start3A_315 = tpu.memref_slice %arg3[%dma_start3A_313, %dma_start3A_314] : memref<100000x128xf32, #tpu.memory_space<hbm>> -> memref<100000x128xf32, #tpu.memory_space<hbm>>
      tpu.enqueue_indirect_dma source(%dma_start3A_315 : memref<100000x128xf32, #tpu.memory_space<hbm>>) target(%arg8 : memref<128x128xf32, #tpu.memory_space<vmem>>) offsets(%dma_start3A_312 : memref<128xi32, #tpu.memory_space<vmem>>) semaphore(%arg15 : memref<!tpu.dma_semaphore, #tpu.memory_space<semaphore_mem>>)
      %mul3A_316 = arith.constant 7 : i32
      %mul3A_317 = arith.muli %scan3A_222, %mul3A_316 : i32
      %add3A_318 = arith.constant 3 : i32
      %add3A_319 = arith.addi %mul3A_317, %add3A_318 : i32
      %dma_wait3A_320 = arith.constant 0 : i32
      %dma_wait3A_321 = arith.constant 0 : i32
      %dma_wait3A_322 = tpu.memref_slice %arg3[%dma_wait3A_320, %dma_wait3A_321] : memref<100000x128xf32, #tpu.memory_space<hbm>> -> memref<128x128xf32, #tpu.memory_space<hbm>>
      %dma_wait3A_323 = arith.constant 0 : i32
      %dma_wait3A_324 = arith.constant 0 : i32
      %dma_wait3A_325 = tpu.memref_slice %arg3[%dma_wait3A_323, %dma_wait3A_324] : memref<100000x128xf32, #tpu.memory_space<hbm>> -> memref<128x128xf32, #tpu.memory_space<hbm>>
      tpu.wait_dma2 semaphore(%arg16 : memref<!tpu.dma_semaphore, #tpu.memory_space<semaphore_mem>>) src(%dma_wait3A_325 : memref<128x128xf32, #tpu.memory_space<hbm>>) dst(%arg9 : memref<128x128xf32, #tpu.memory_space<vmem>>)
      %dma_start3A_326 = arith.constant 0 : i32
      %dma_start3A_327 = tpu.memref_slice %arg4[%add3A_319, %mul3A_2, %dma_start3A_326] : memref<50x4096x128xf32, #tpu.memory_space<hbm>> -> memref<1x128x128xf32, #tpu.memory_space<hbm>>
      %dma_start3A_328 = tpu.memref_squeeze %dma_start3A_327 : memref<1x128x128xf32, #tpu.memory_space<hbm>> -> memref<128x128xf32, #tpu.memory_space<hbm>>
      %dma_start3A_329 = arith.constant 0 : i32
      %dma_start3A_330 = tpu.memref_slice %arg4[%add3A_319, %mul3A_2, %dma_start3A_329] : memref<50x4096x128xf32, #tpu.memory_space<hbm>> -> memref<1x128x128xf32, #tpu.memory_space<hbm>>
      %dma_start3A_331 = tpu.memref_squeeze %dma_start3A_330 : memref<1x128x128xf32, #tpu.memory_space<hbm>> -> memref<128x128xf32, #tpu.memory_space<hbm>>
      tpu.enqueue_dma source(%arg9 : memref<128x128xf32, #tpu.memory_space<vmem>>) target(%dma_start3A_331 : memref<128x128xf32, #tpu.memory_space<hbm>>) target_semaphore(%arg23 : memref<!tpu.dma_semaphore, #tpu.memory_space<semaphore_mem>>)
      %dma_wait3A_332 = arith.constant 0 : i32
      %dma_wait3A_333 = arith.constant 0 : i32
      %dma_wait3A_334 = tpu.memref_slice %arg4[%dma_wait3A_332, %mul3A_2, %dma_wait3A_333] : memref<50x4096x128xf32, #tpu.memory_space<hbm>> -> memref<1x128x128xf32, #tpu.memory_space<hbm>>
      %dma_wait3A_335 = tpu.memref_squeeze %dma_wait3A_334 : memref<1x128x128xf32, #tpu.memory_space<hbm>> -> memref<128x128xf32, #tpu.memory_space<hbm>>
      %dma_wait3A_336 = arith.constant 0 : i32
      %dma_wait3A_337 = tpu.memref_slice %arg4[%dma_wait3A_332, %mul3A_2, %dma_wait3A_336] : memref<50x4096x128xf32, #tpu.memory_space<hbm>> -> memref<1x128x128xf32, #tpu.memory_space<hbm>>
      %dma_wait3A_338 = tpu.memref_squeeze %dma_wait3A_337 : memref<1x128x128xf32, #tpu.memory_space<hbm>> -> memref<128x128xf32, #tpu.memory_space<hbm>>
      tpu.wait_dma2 semaphore(%arg23 : memref<!tpu.dma_semaphore, #tpu.memory_space<semaphore_mem>>) src(%arg9 : memref<128x128xf32, #tpu.memory_space<vmem>>) dst(%dma_wait3A_338 : memref<128x128xf32, #tpu.memory_space<hbm>>)
      %add3A_339 = arith.constant 7 : i32
      %add3A_340 = arith.addi %add3A_319, %add3A_339 : i32
      %dma_start3A_341 = arith.constant 0 : i32
      %dma_start3A_342 = tpu.memref_slice %arg5[%add3A_340, %dma_start3A_341] : memref<50x128xi32, #tpu.memory_space<vmem>> -> memref<1x128xi32, #tpu.memory_space<vmem>>
      %dma_start3A_343 = tpu.memref_squeeze %dma_start3A_342 : memref<1x128xi32, #tpu.memory_space<vmem>> -> memref<128xi32, #tpu.memory_space<vmem>>
      %dma_start3A_344 = arith.constant 0 : i32
      %dma_start3A_345 = arith.constant 0 : i32
      %dma_start3A_346 = tpu.memref_slice %arg3[%dma_start3A_344, %dma_start3A_345] : memref<100000x128xf32, #tpu.memory_space<hbm>> -> memref<100000x128xf32, #tpu.memory_space<hbm>>
      tpu.enqueue_indirect_dma source(%dma_start3A_346 : memref<100000x128xf32, #tpu.memory_space<hbm>>) target(%arg9 : memref<128x128xf32, #tpu.memory_space<vmem>>) offsets(%dma_start3A_343 : memref<128xi32, #tpu.memory_space<vmem>>) semaphore(%arg16 : memref<!tpu.dma_semaphore, #tpu.memory_space<semaphore_mem>>)
      %mul3A_347 = arith.constant 7 : i32
      %mul3A_348 = arith.muli %scan3A_222, %mul3A_347 : i32
      %add3A_349 = arith.constant 4 : i32
      %add3A_350 = arith.addi %mul3A_348, %add3A_349 : i32
      %dma_wait3A_351 = arith.constant 0 : i32
      %dma_wait3A_352 = arith.constant 0 : i32
      %dma_wait3A_353 = tpu.memref_slice %arg3[%dma_wait3A_351, %dma_wait3A_352] : memref<100000x128xf32, #tpu.memory_space<hbm>> -> memref<128x128xf32, #tpu.memory_space<hbm>>
      %dma_wait3A_354 = arith.constant 0 : i32
      %dma_wait3A_355 = arith.constant 0 : i32
      %dma_wait3A_356 = tpu.memref_slice %arg3[%dma_wait3A_354, %dma_wait3A_355] : memref<100000x128xf32, #tpu.memory_space<hbm>> -> memref<128x128xf32, #tpu.memory_space<hbm>>
      tpu.wait_dma2 semaphore(%arg17 : memref<!tpu.dma_semaphore, #tpu.memory_space<semaphore_mem>>) src(%dma_wait3A_356 : memref<128x128xf32, #tpu.memory_space<hbm>>) dst(%arg10 : memref<128x128xf32, #tpu.memory_space<vmem>>)
      %dma_start3A_357 = arith.constant 0 : i32
      %dma_start3A_358 = tpu.memref_slice %arg4[%add3A_350, %mul3A_2, %dma_start3A_357] : memref<50x4096x128xf32, #tpu.memory_space<hbm>> -> memref<1x128x128xf32, #tpu.memory_space<hbm>>
      %dma_start3A_359 = tpu.memref_squeeze %dma_start3A_358 : memref<1x128x128xf32, #tpu.memory_space<hbm>> -> memref<128x128xf32, #tpu.memory_space<hbm>>
      %dma_start3A_360 = arith.constant 0 : i32
      %dma_start3A_361 = tpu.memref_slice %arg4[%add3A_350, %mul3A_2, %dma_start3A_360] : memref<50x4096x128xf32, #tpu.memory_space<hbm>> -> memref<1x128x128xf32, #tpu.memory_space<hbm>>
      %dma_start3A_362 = tpu.memref_squeeze %dma_start3A_361 : memref<1x128x128xf32, #tpu.memory_space<hbm>> -> memref<128x128xf32, #tpu.memory_space<hbm>>
      tpu.enqueue_dma source(%arg10 : memref<128x128xf32, #tpu.memory_space<vmem>>) target(%dma_start3A_362 : memref<128x128xf32, #tpu.memory_space<hbm>>) target_semaphore(%arg24 : memref<!tpu.dma_semaphore, #tpu.memory_space<semaphore_mem>>)
      %dma_wait3A_363 = arith.constant 0 : i32
      %dma_wait3A_364 = arith.constant 0 : i32
      %dma_wait3A_365 = tpu.memref_slice %arg4[%dma_wait3A_363, %mul3A_2, %dma_wait3A_364] : memref<50x4096x128xf32, #tpu.memory_space<hbm>> -> memref<1x128x128xf32, #tpu.memory_space<hbm>>
      %dma_wait3A_366 = tpu.memref_squeeze %dma_wait3A_365 : memref<1x128x128xf32, #tpu.memory_space<hbm>> -> memref<128x128xf32, #tpu.memory_space<hbm>>
      %dma_wait3A_367 = arith.constant 0 : i32
      %dma_wait3A_368 = tpu.memref_slice %arg4[%dma_wait3A_363, %mul3A_2, %dma_wait3A_367] : memref<50x4096x128xf32, #tpu.memory_space<hbm>> -> memref<1x128x128xf32, #tpu.memory_space<hbm>>
      %dma_wait3A_369 = tpu.memref_squeeze %dma_wait3A_368 : memref<1x128x128xf32, #tpu.memory_space<hbm>> -> memref<128x128xf32, #tpu.memory_space<hbm>>
      tpu.wait_dma2 semaphore(%arg24 : memref<!tpu.dma_semaphore, #tpu.memory_space<semaphore_mem>>) src(%arg10 : memref<128x128xf32, #tpu.memory_space<vmem>>) dst(%dma_wait3A_369 : memref<128x128xf32, #tpu.memory_space<hbm>>)
      %add3A_370 = arith.constant 7 : i32
      %add3A_371 = arith.addi %add3A_350, %add3A_370 : i32
      %dma_start3A_372 = arith.constant 0 : i32
      %dma_start3A_373 = tpu.memref_slice %arg5[%add3A_371, %dma_start3A_372] : memref<50x128xi32, #tpu.memory_space<vmem>> -> memref<1x128xi32, #tpu.memory_space<vmem>>
      %dma_start3A_374 = tpu.memref_squeeze %dma_start3A_373 : memref<1x128xi32, #tpu.memory_space<vmem>> -> memref<128xi32, #tpu.memory_space<vmem>>
      %dma_start3A_375 = arith.constant 0 : i32
      %dma_start3A_376 = arith.constant 0 : i32
      %dma_start3A_377 = tpu.memref_slice %arg3[%dma_start3A_375, %dma_start3A_376] : memref<100000x128xf32, #tpu.memory_space<hbm>> -> memref<100000x128xf32, #tpu.memory_space<hbm>>
      tpu.enqueue_indirect_dma source(%dma_start3A_377 : memref<100000x128xf32, #tpu.memory_space<hbm>>) target(%arg10 : memref<128x128xf32, #tpu.memory_space<vmem>>) offsets(%dma_start3A_374 : memref<128xi32, #tpu.memory_space<vmem>>) semaphore(%arg17 : memref<!tpu.dma_semaphore, #tpu.memory_space<semaphore_mem>>)
      %mul3A_378 = arith.constant 7 : i32
      %mul3A_379 = arith.muli %scan3A_222, %mul3A_378 : i32
      %add3A_380 = arith.constant 5 : i32
      %add3A_381 = arith.addi %mul3A_379, %add3A_380 : i32
      %dma_wait3A_382 = arith.constant 0 : i32
      %dma_wait3A_383 = arith.constant 0 : i32
      %dma_wait3A_384 = tpu.memref_slice %arg3[%dma_wait3A_382, %dma_wait3A_383] : memref<100000x128xf32, #tpu.memory_space<hbm>> -> memref<128x128xf32, #tpu.memory_space<hbm>>
      %dma_wait3A_385 = arith.constant 0 : i32
      %dma_wait3A_386 = arith.constant 0 : i32
      %dma_wait3A_387 = tpu.memref_slice %arg3[%dma_wait3A_385, %dma_wait3A_386] : memref<100000x128xf32, #tpu.memory_space<hbm>> -> memref<128x128xf32, #tpu.memory_space<hbm>>
      tpu.wait_dma2 semaphore(%arg18 : memref<!tpu.dma_semaphore, #tpu.memory_space<semaphore_mem>>) src(%dma_wait3A_387 : memref<128x128xf32, #tpu.memory_space<hbm>>) dst(%arg11 : memref<128x128xf32, #tpu.memory_space<vmem>>)
      %dma_start3A_388 = arith.constant 0 : i32
      %dma_start3A_389 = tpu.memref_slice %arg4[%add3A_381, %mul3A_2, %dma_start3A_388] : memref<50x4096x128xf32, #tpu.memory_space<hbm>> -> memref<1x128x128xf32, #tpu.memory_space<hbm>>
      %dma_start3A_390 = tpu.memref_squeeze %dma_start3A_389 : memref<1x128x128xf32, #tpu.memory_space<hbm>> -> memref<128x128xf32, #tpu.memory_space<hbm>>
      %dma_start3A_391 = arith.constant 0 : i32
      %dma_start3A_392 = tpu.memref_slice %arg4[%add3A_381, %mul3A_2, %dma_start3A_391] : memref<50x4096x128xf32, #tpu.memory_space<hbm>> -> memref<1x128x128xf32, #tpu.memory_space<hbm>>
      %dma_start3A_393 = tpu.memref_squeeze %dma_start3A_392 : memref<1x128x128xf32, #tpu.memory_space<hbm>> -> memref<128x128xf32, #tpu.memory_space<hbm>>
      tpu.enqueue_dma source(%arg11 : memref<128x128xf32, #tpu.memory_space<vmem>>) target(%dma_start3A_393 : memref<128x128xf32, #tpu.memory_space<hbm>>) target_semaphore(%arg25 : memref<!tpu.dma_semaphore, #tpu.memory_space<semaphore_mem>>)
      %dma_wait3A_394 = arith.constant 0 : i32
      %dma_wait3A_395 = arith.constant 0 : i32
      %dma_wait3A_396 = tpu.memref_slice %arg4[%dma_wait3A_394, %mul3A_2, %dma_wait3A_395] : memref<50x4096x128xf32, #tpu.memory_space<hbm>> -> memref<1x128x128xf32, #tpu.memory_space<hbm>>
      %dma_wait3A_397 = tpu.memref_squeeze %dma_wait3A_396 : memref<1x128x128xf32, #tpu.memory_space<hbm>> -> memref<128x128xf32, #tpu.memory_space<hbm>>
      %dma_wait3A_398 = arith.constant 0 : i32
      %dma_wait3A_399 = tpu.memref_slice %arg4[%dma_wait3A_394, %mul3A_2, %dma_wait3A_398] : memref<50x4096x128xf32, #tpu.memory_space<hbm>> -> memref<1x128x128xf32, #tpu.memory_space<hbm>>
      %dma_wait3A_400 = tpu.memref_squeeze %dma_wait3A_399 : memref<1x128x128xf32, #tpu.memory_space<hbm>> -> memref<128x128xf32, #tpu.memory_space<hbm>>
      tpu.wait_dma2 semaphore(%arg25 : memref<!tpu.dma_semaphore, #tpu.memory_space<semaphore_mem>>) src(%arg11 : memref<128x128xf32, #tpu.memory_space<vmem>>) dst(%dma_wait3A_400 : memref<128x128xf32, #tpu.memory_space<hbm>>)
      %add3A_401 = arith.constant 7 : i32
      %add3A_402 = arith.addi %add3A_381, %add3A_401 : i32
      %dma_start3A_403 = arith.constant 0 : i32
      %dma_start3A_404 = tpu.memref_slice %arg5[%add3A_402, %dma_start3A_403] : memref<50x128xi32, #tpu.memory_space<vmem>> -> memref<1x128xi32, #tpu.memory_space<vmem>>
      %dma_start3A_405 = tpu.memref_squeeze %dma_start3A_404 : memref<1x128xi32, #tpu.memory_space<vmem>> -> memref<128xi32, #tpu.memory_space<vmem>>
      %dma_start3A_406 = arith.constant 0 : i32
      %dma_start3A_407 = arith.constant 0 : i32
      %dma_start3A_408 = tpu.memref_slice %arg3[%dma_start3A_406, %dma_start3A_407] : memref<100000x128xf32, #tpu.memory_space<hbm>> -> memref<100000x128xf32, #tpu.memory_space<hbm>>
      tpu.enqueue_indirect_dma source(%dma_start3A_408 : memref<100000x128xf32, #tpu.memory_space<hbm>>) target(%arg11 : memref<128x128xf32, #tpu.memory_space<vmem>>) offsets(%dma_start3A_405 : memref<128xi32, #tpu.memory_space<vmem>>) semaphore(%arg18 : memref<!tpu.dma_semaphore, #tpu.memory_space<semaphore_mem>>)
      %mul3A_409 = arith.constant 7 : i32
      %mul3A_410 = arith.muli %scan3A_222, %mul3A_409 : i32
      %add3A_411 = arith.constant 6 : i32
      %add3A_412 = arith.addi %mul3A_410, %add3A_411 : i32
      %dma_wait3A_413 = arith.constant 0 : i32
      %dma_wait3A_414 = arith.constant 0 : i32
      %dma_wait3A_415 = tpu.memref_slice %arg3[%dma_wait3A_413, %dma_wait3A_414] : memref<100000x128xf32, #tpu.memory_space<hbm>> -> memref<128x128xf32, #tpu.memory_space<hbm>>
      %dma_wait3A_416 = arith.constant 0 : i32
      %dma_wait3A_417 = arith.constant 0 : i32
      %dma_wait3A_418 = tpu.memref_slice %arg3[%dma_wait3A_416, %dma_wait3A_417] : memref<100000x128xf32, #tpu.memory_space<hbm>> -> memref<128x128xf32, #tpu.memory_space<hbm>>
      tpu.wait_dma2 semaphore(%arg19 : memref<!tpu.dma_semaphore, #tpu.memory_space<semaphore_mem>>) src(%dma_wait3A_418 : memref<128x128xf32, #tpu.memory_space<hbm>>) dst(%arg12 : memref<128x128xf32, #tpu.memory_space<vmem>>)
      %dma_start3A_419 = arith.constant 0 : i32
      %dma_start3A_420 = tpu.memref_slice %arg4[%add3A_412, %mul3A_2, %dma_start3A_419] : memref<50x4096x128xf32, #tpu.memory_space<hbm>> -> memref<1x128x128xf32, #tpu.memory_space<hbm>>
      %dma_start3A_421 = tpu.memref_squeeze %dma_start3A_420 : memref<1x128x128xf32, #tpu.memory_space<hbm>> -> memref<128x128xf32, #tpu.memory_space<hbm>>
      %dma_start3A_422 = arith.constant 0 : i32
      %dma_start3A_423 = tpu.memref_slice %arg4[%add3A_412, %mul3A_2, %dma_start3A_422] : memref<50x4096x128xf32, #tpu.memory_space<hbm>> -> memref<1x128x128xf32, #tpu.memory_space<hbm>>
      %dma_start3A_424 = tpu.memref_squeeze %dma_start3A_423 : memref<1x128x128xf32, #tpu.memory_space<hbm>> -> memref<128x128xf32, #tpu.memory_space<hbm>>
      tpu.enqueue_dma source(%arg12 : memref<128x128xf32, #tpu.memory_space<vmem>>) target(%dma_start3A_424 : memref<128x128xf32, #tpu.memory_space<hbm>>) target_semaphore(%arg26 : memref<!tpu.dma_semaphore, #tpu.memory_space<semaphore_mem>>)
      %dma_wait3A_425 = arith.constant 0 : i32
      %dma_wait3A_426 = arith.constant 0 : i32
      %dma_wait3A_427 = tpu.memref_slice %arg4[%dma_wait3A_425, %mul3A_2, %dma_wait3A_426] : memref<50x4096x128xf32, #tpu.memory_space<hbm>> -> memref<1x128x128xf32, #tpu.memory_space<hbm>>
      %dma_wait3A_428 = tpu.memref_squeeze %dma_wait3A_427 : memref<1x128x128xf32, #tpu.memory_space<hbm>> -> memref<128x128xf32, #tpu.memory_space<hbm>>
      %dma_wait3A_429 = arith.constant 0 : i32
      %dma_wait3A_430 = tpu.memref_slice %arg4[%dma_wait3A_425, %mul3A_2, %dma_wait3A_429] : memref<50x4096x128xf32, #tpu.memory_space<hbm>> -> memref<1x128x128xf32, #tpu.memory_space<hbm>>
      %dma_wait3A_431 = tpu.memref_squeeze %dma_wait3A_430 : memref<1x128x128xf32, #tpu.memory_space<hbm>> -> memref<128x128xf32, #tpu.memory_space<hbm>>
      tpu.wait_dma2 semaphore(%arg26 : memref<!tpu.dma_semaphore, #tpu.memory_space<semaphore_mem>>) src(%arg12 : memref<128x128xf32, #tpu.memory_space<vmem>>) dst(%dma_wait3A_431 : memref<128x128xf32, #tpu.memory_space<hbm>>)
      %add3A_432 = arith.constant 7 : i32
      %add3A_433 = arith.addi %add3A_412, %add3A_432 : i32
      %dma_start3A_434 = arith.constant 0 : i32
      %dma_start3A_435 = tpu.memref_slice %arg5[%add3A_433, %dma_start3A_434] : memref<50x128xi32, #tpu.memory_space<vmem>> -> memref<1x128xi32, #tpu.memory_space<vmem>>
      %dma_start3A_436 = tpu.memref_squeeze %dma_start3A_435 : memref<1x128xi32, #tpu.memory_space<vmem>> -> memref<128xi32, #tpu.memory_space<vmem>>
      %dma_start3A_437 = arith.constant 0 : i32
      %dma_start3A_438 = arith.constant 0 : i32
      %dma_start3A_439 = tpu.memref_slice %arg3[%dma_start3A_437, %dma_start3A_438] : memref<100000x128xf32, #tpu.memory_space<hbm>> -> memref<100000x128xf32, #tpu.memory_space<hbm>>
      tpu.enqueue_indirect_dma source(%dma_start3A_439 : memref<100000x128xf32, #tpu.memory_space<hbm>>) target(%arg12 : memref<128x128xf32, #tpu.memory_space<vmem>>) offsets(%dma_start3A_436 : memref<128xi32, #tpu.memory_space<vmem>>) semaphore(%arg19 : memref<!tpu.dma_semaphore, #tpu.memory_space<semaphore_mem>>)
    }
    %scan3A_55 = arith.constant 6 : i32
    %dma_wait3A = arith.constant 0 : i32
    %dma_wait3A_56 = arith.constant 0 : i32
    %dma_wait3A_57 = tpu.memref_slice %arg3[%dma_wait3A, %dma_wait3A_56] : memref<100000x128xf32, #tpu.memory_space<hbm>> -> memref<128x128xf32, #tpu.memory_space<hbm>>
    %dma_wait3A_58 = arith.constant 0 : i32
    %dma_wait3A_59 = arith.constant 0 : i32
    %dma_wait3A_60 = tpu.memref_slice %arg3[%dma_wait3A_58, %dma_wait3A_59] : memref<100000x128xf32, #tpu.memory_space<hbm>> -> memref<128x128xf32, #tpu.memory_space<hbm>>
    tpu.wait_dma2 semaphore(%arg13 : memref<!tpu.dma_semaphore, #tpu.memory_space<semaphore_mem>>) src(%dma_wait3A_60 : memref<128x128xf32, #tpu.memory_space<hbm>>) dst(%arg6 : memref<128x128xf32, #tpu.memory_space<vmem>>)
    %dma_start3A_61 = arith.constant 42 : i32
    %dma_start3A_62 = arith.constant 0 : i32
    %dma_start3A_63 = tpu.memref_slice %arg4[%dma_start3A_61, %mul3A_2, %dma_start3A_62] : memref<50x4096x128xf32, #tpu.memory_space<hbm>> -> memref<1x128x128xf32, #tpu.memory_space<hbm>>
    %dma_start3A_64 = tpu.memref_squeeze %dma_start3A_63 : memref<1x128x128xf32, #tpu.memory_space<hbm>> -> memref<128x128xf32, #tpu.memory_space<hbm>>
    %dma_start3A_65 = arith.constant 0 : i32
    %dma_start3A_66 = tpu.memref_slice %arg4[%dma_start3A_61, %mul3A_2, %dma_start3A_65] : memref<50x4096x128xf32, #tpu.memory_space<hbm>> -> memref<1x128x128xf32, #tpu.memory_space<hbm>>
    %dma_start3A_67 = tpu.memref_squeeze %dma_start3A_66 : memref<1x128x128xf32, #tpu.memory_space<hbm>> -> memref<128x128xf32, #tpu.memory_space<hbm>>
    tpu.enqueue_dma source(%arg6 : memref<128x128xf32, #tpu.memory_space<vmem>>) target(%dma_start3A_67 : memref<128x128xf32, #tpu.memory_space<hbm>>) target_semaphore(%arg20 : memref<!tpu.dma_semaphore, #tpu.memory_space<semaphore_mem>>)
    %dma_wait3A_68 = arith.constant 0 : i32
    %dma_wait3A_69 = arith.constant 0 : i32
    %dma_wait3A_70 = tpu.memref_slice %arg4[%dma_wait3A_68, %mul3A_2, %dma_wait3A_69] : memref<50x4096x128xf32, #tpu.memory_space<hbm>> -> memref<1x128x128xf32, #tpu.memory_space<hbm>>
    %dma_wait3A_71 = tpu.memref_squeeze %dma_wait3A_70 : memref<1x128x128xf32, #tpu.memory_space<hbm>> -> memref<128x128xf32, #tpu.memory_space<hbm>>
    %dma_wait3A_72 = arith.constant 0 : i32
    %dma_wait3A_73 = tpu.memref_slice %arg4[%dma_wait3A_68, %mul3A_2, %dma_wait3A_72] : memref<50x4096x128xf32, #tpu.memory_space<hbm>> -> memref<1x128x128xf32, #tpu.memory_space<hbm>>
    %dma_wait3A_74 = tpu.memref_squeeze %dma_wait3A_73 : memref<1x128x128xf32, #tpu.memory_space<hbm>> -> memref<128x128xf32, #tpu.memory_space<hbm>>
    tpu.wait_dma2 semaphore(%arg20 : memref<!tpu.dma_semaphore, #tpu.memory_space<semaphore_mem>>) src(%arg6 : memref<128x128xf32, #tpu.memory_space<vmem>>) dst(%dma_wait3A_74 : memref<128x128xf32, #tpu.memory_space<hbm>>)
    %dma_start3A_75 = arith.constant 49 : i32
    %dma_start3A_76 = arith.constant 0 : i32
    %dma_start3A_77 = tpu.memref_slice %arg5[%dma_start3A_75, %dma_start3A_76] : memref<50x128xi32, #tpu.memory_space<vmem>> -> memref<1x128xi32, #tpu.memory_space<vmem>>
    %dma_start3A_78 = tpu.memref_squeeze %dma_start3A_77 : memref<1x128xi32, #tpu.memory_space<vmem>> -> memref<128xi32, #tpu.memory_space<vmem>>
    %dma_start3A_79 = arith.constant 0 : i32
    %dma_start3A_80 = arith.constant 0 : i32
    %dma_start3A_81 = tpu.memref_slice %arg3[%dma_start3A_79, %dma_start3A_80] : memref<100000x128xf32, #tpu.memory_space<hbm>> -> memref<100000x128xf32, #tpu.memory_space<hbm>>
    tpu.enqueue_indirect_dma source(%dma_start3A_81 : memref<100000x128xf32, #tpu.memory_space<hbm>>) target(%arg6 : memref<128x128xf32, #tpu.memory_space<vmem>>) offsets(%dma_start3A_78 : memref<128xi32, #tpu.memory_space<vmem>>) semaphore(%arg13 : memref<!tpu.dma_semaphore, #tpu.memory_space<semaphore_mem>>)
    %dma_wait3A_82 = arith.constant 0 : i32
    %dma_wait3A_83 = arith.constant 0 : i32
    %dma_wait3A_84 = tpu.memref_slice %arg3[%dma_wait3A_82, %dma_wait3A_83] : memref<100000x128xf32, #tpu.memory_space<hbm>> -> memref<128x128xf32, #tpu.memory_space<hbm>>
    %dma_wait3A_85 = arith.constant 0 : i32
    %dma_wait3A_86 = arith.constant 0 : i32
    %dma_wait3A_87 = tpu.memref_slice %arg3[%dma_wait3A_85, %dma_wait3A_86] : memref<100000x128xf32, #tpu.memory_space<hbm>> -> memref<128x128xf32, #tpu.memory_space<hbm>>
    tpu.wait_dma2 semaphore(%arg14 : memref<!tpu.dma_semaphore, #tpu.memory_space<semaphore_mem>>) src(%dma_wait3A_87 : memref<128x128xf32, #tpu.memory_space<hbm>>) dst(%arg7 : memref<128x128xf32, #tpu.memory_space<vmem>>)
    %dma_start3A_88 = arith.constant 43 : i32
    %dma_start3A_89 = arith.constant 0 : i32
    %dma_start3A_90 = tpu.memref_slice %arg4[%dma_start3A_88, %mul3A_2, %dma_start3A_89] : memref<50x4096x128xf32, #tpu.memory_space<hbm>> -> memref<1x128x128xf32, #tpu.memory_space<hbm>>
    %dma_start3A_91 = tpu.memref_squeeze %dma_start3A_90 : memref<1x128x128xf32, #tpu.memory_space<hbm>> -> memref<128x128xf32, #tpu.memory_space<hbm>>
    %dma_start3A_92 = arith.constant 0 : i32
    %dma_start3A_93 = tpu.memref_slice %arg4[%dma_start3A_88, %mul3A_2, %dma_start3A_92] : memref<50x4096x128xf32, #tpu.memory_space<hbm>> -> memref<1x128x128xf32, #tpu.memory_space<hbm>>
    %dma_start3A_94 = tpu.memref_squeeze %dma_start3A_93 : memref<1x128x128xf32, #tpu.memory_space<hbm>> -> memref<128x128xf32, #tpu.memory_space<hbm>>
    tpu.enqueue_dma source(%arg7 : memref<128x128xf32, #tpu.memory_space<vmem>>) target(%dma_start3A_94 : memref<128x128xf32, #tpu.memory_space<hbm>>) target_semaphore(%arg21 : memref<!tpu.dma_semaphore, #tpu.memory_space<semaphore_mem>>)
    %dma_wait3A_95 = arith.constant 0 : i32
    %dma_wait3A_96 = arith.constant 0 : i32
    %dma_wait3A_97 = tpu.memref_slice %arg3[%dma_wait3A_95, %dma_wait3A_96] : memref<100000x128xf32, #tpu.memory_space<hbm>> -> memref<128x128xf32, #tpu.memory_space<hbm>>
    %dma_wait3A_98 = arith.constant 0 : i32
    %dma_wait3A_99 = arith.constant 0 : i32
    %dma_wait3A_100 = tpu.memref_slice %arg3[%dma_wait3A_98, %dma_wait3A_99] : memref<100000x128xf32, #tpu.memory_space<hbm>> -> memref<128x128xf32, #tpu.memory_space<hbm>>
    tpu.wait_dma2 semaphore(%arg15 : memref<!tpu.dma_semaphore, #tpu.memory_space<semaphore_mem>>) src(%dma_wait3A_100 : memref<128x128xf32, #tpu.memory_space<hbm>>) dst(%arg8 : memref<128x128xf32, #tpu.memory_space<vmem>>)
    %dma_start3A_101 = arith.constant 44 : i32
    %dma_start3A_102 = arith.constant 0 : i32
    %dma_start3A_103 = tpu.memref_slice %arg4[%dma_start3A_101, %mul3A_2, %dma_start3A_102] : memref<50x4096x128xf32, #tpu.memory_space<hbm>> -> memref<1x128x128xf32, #tpu.memory_space<hbm>>
    %dma_start3A_104 = tpu.memref_squeeze %dma_start3A_103 : memref<1x128x128xf32, #tpu.memory_space<hbm>> -> memref<128x128xf32, #tpu.memory_space<hbm>>
    %dma_start3A_105 = arith.constant 0 : i32
    %dma_start3A_106 = tpu.memref_slice %arg4[%dma_start3A_101, %mul3A_2, %dma_start3A_105] : memref<50x4096x128xf32, #tpu.memory_space<hbm>> -> memref<1x128x128xf32, #tpu.memory_space<hbm>>
    %dma_start3A_107 = tpu.memref_squeeze %dma_start3A_106 : memref<1x128x128xf32, #tpu.memory_space<hbm>> -> memref<128x128xf32, #tpu.memory_space<hbm>>
    tpu.enqueue_dma source(%arg8 : memref<128x128xf32, #tpu.memory_space<vmem>>) target(%dma_start3A_107 : memref<128x128xf32, #tpu.memory_space<hbm>>) target_semaphore(%arg22 : memref<!tpu.dma_semaphore, #tpu.memory_space<semaphore_mem>>)
    %dma_wait3A_108 = arith.constant 0 : i32
    %dma_wait3A_109 = arith.constant 0 : i32
    %dma_wait3A_110 = tpu.memref_slice %arg3[%dma_wait3A_108, %dma_wait3A_109] : memref<100000x128xf32, #tpu.memory_space<hbm>> -> memref<128x128xf32, #tpu.memory_space<hbm>>
    %dma_wait3A_111 = arith.constant 0 : i32
    %dma_wait3A_112 = arith.constant 0 : i32
    %dma_wait3A_113 = tpu.memref_slice %arg3[%dma_wait3A_111, %dma_wait3A_112] : memref<100000x128xf32, #tpu.memory_space<hbm>> -> memref<128x128xf32, #tpu.memory_space<hbm>>
    tpu.wait_dma2 semaphore(%arg16 : memref<!tpu.dma_semaphore, #tpu.memory_space<semaphore_mem>>) src(%dma_wait3A_113 : memref<128x128xf32, #tpu.memory_space<hbm>>) dst(%arg9 : memref<128x128xf32, #tpu.memory_space<vmem>>)
    %dma_start3A_114 = arith.constant 45 : i32
    %dma_start3A_115 = arith.constant 0 : i32
    %dma_start3A_116 = tpu.memref_slice %arg4[%dma_start3A_114, %mul3A_2, %dma_start3A_115] : memref<50x4096x128xf32, #tpu.memory_space<hbm>> -> memref<1x128x128xf32, #tpu.memory_space<hbm>>
    %dma_start3A_117 = tpu.memref_squeeze %dma_start3A_116 : memref<1x128x128xf32, #tpu.memory_space<hbm>> -> memref<128x128xf32, #tpu.memory_space<hbm>>
    %dma_start3A_118 = arith.constant 0 : i32
    %dma_start3A_119 = tpu.memref_slice %arg4[%dma_start3A_114, %mul3A_2, %dma_start3A_118] : memref<50x4096x128xf32, #tpu.memory_space<hbm>> -> memref<1x128x128xf32, #tpu.memory_space<hbm>>
    %dma_start3A_120 = tpu.memref_squeeze %dma_start3A_119 : memref<1x128x128xf32, #tpu.memory_space<hbm>> -> memref<128x128xf32, #tpu.memory_space<hbm>>
    tpu.enqueue_dma source(%arg9 : memref<128x128xf32, #tpu.memory_space<vmem>>) target(%dma_start3A_120 : memref<128x128xf32, #tpu.memory_space<hbm>>) target_semaphore(%arg23 : memref<!tpu.dma_semaphore, #tpu.memory_space<semaphore_mem>>)
    %dma_wait3A_121 = arith.constant 0 : i32
    %dma_wait3A_122 = arith.constant 0 : i32
    %dma_wait3A_123 = tpu.memref_slice %arg3[%dma_wait3A_121, %dma_wait3A_122] : memref<100000x128xf32, #tpu.memory_space<hbm>> -> memref<128x128xf32, #tpu.memory_space<hbm>>
    %dma_wait3A_124 = arith.constant 0 : i32
    %dma_wait3A_125 = arith.constant 0 : i32
    %dma_wait3A_126 = tpu.memref_slice %arg3[%dma_wait3A_124, %dma_wait3A_125] : memref<100000x128xf32, #tpu.memory_space<hbm>> -> memref<128x128xf32, #tpu.memory_space<hbm>>
    tpu.wait_dma2 semaphore(%arg17 : memref<!tpu.dma_semaphore, #tpu.memory_space<semaphore_mem>>) src(%dma_wait3A_126 : memref<128x128xf32, #tpu.memory_space<hbm>>) dst(%arg10 : memref<128x128xf32, #tpu.memory_space<vmem>>)
    %dma_start3A_127 = arith.constant 46 : i32
    %dma_start3A_128 = arith.constant 0 : i32
    %dma_start3A_129 = tpu.memref_slice %arg4[%dma_start3A_127, %mul3A_2, %dma_start3A_128] : memref<50x4096x128xf32, #tpu.memory_space<hbm>> -> memref<1x128x128xf32, #tpu.memory_space<hbm>>
    %dma_start3A_130 = tpu.memref_squeeze %dma_start3A_129 : memref<1x128x128xf32, #tpu.memory_space<hbm>> -> memref<128x128xf32, #tpu.memory_space<hbm>>
    %dma_start3A_131 = arith.constant 0 : i32
    %dma_start3A_132 = tpu.memref_slice %arg4[%dma_start3A_127, %mul3A_2, %dma_start3A_131] : memref<50x4096x128xf32, #tpu.memory_space<hbm>> -> memref<1x128x128xf32, #tpu.memory_space<hbm>>
    %dma_start3A_133 = tpu.memref_squeeze %dma_start3A_132 : memref<1x128x128xf32, #tpu.memory_space<hbm>> -> memref<128x128xf32, #tpu.memory_space<hbm>>
    tpu.enqueue_dma source(%arg10 : memref<128x128xf32, #tpu.memory_space<vmem>>) target(%dma_start3A_133 : memref<128x128xf32, #tpu.memory_space<hbm>>) target_semaphore(%arg24 : memref<!tpu.dma_semaphore, #tpu.memory_space<semaphore_mem>>)
    %dma_wait3A_134 = arith.constant 0 : i32
    %dma_wait3A_135 = arith.constant 0 : i32
    %dma_wait3A_136 = tpu.memref_slice %arg3[%dma_wait3A_134, %dma_wait3A_135] : memref<100000x128xf32, #tpu.memory_space<hbm>> -> memref<128x128xf32, #tpu.memory_space<hbm>>
    %dma_wait3A_137 = arith.constant 0 : i32
    %dma_wait3A_138 = arith.constant 0 : i32
    %dma_wait3A_139 = tpu.memref_slice %arg3[%dma_wait3A_137, %dma_wait3A_138] : memref<100000x128xf32, #tpu.memory_space<hbm>> -> memref<128x128xf32, #tpu.memory_space<hbm>>
    tpu.wait_dma2 semaphore(%arg18 : memref<!tpu.dma_semaphore, #tpu.memory_space<semaphore_mem>>) src(%dma_wait3A_139 : memref<128x128xf32, #tpu.memory_space<hbm>>) dst(%arg11 : memref<128x128xf32, #tpu.memory_space<vmem>>)
    %dma_start3A_140 = arith.constant 47 : i32
    %dma_start3A_141 = arith.constant 0 : i32
    %dma_start3A_142 = tpu.memref_slice %arg4[%dma_start3A_140, %mul3A_2, %dma_start3A_141] : memref<50x4096x128xf32, #tpu.memory_space<hbm>> -> memref<1x128x128xf32, #tpu.memory_space<hbm>>
    %dma_start3A_143 = tpu.memref_squeeze %dma_start3A_142 : memref<1x128x128xf32, #tpu.memory_space<hbm>> -> memref<128x128xf32, #tpu.memory_space<hbm>>
    %dma_start3A_144 = arith.constant 0 : i32
    %dma_start3A_145 = tpu.memref_slice %arg4[%dma_start3A_140, %mul3A_2, %dma_start3A_144] : memref<50x4096x128xf32, #tpu.memory_space<hbm>> -> memref<1x128x128xf32, #tpu.memory_space<hbm>>
    %dma_start3A_146 = tpu.memref_squeeze %dma_start3A_145 : memref<1x128x128xf32, #tpu.memory_space<hbm>> -> memref<128x128xf32, #tpu.memory_space<hbm>>
    tpu.enqueue_dma source(%arg11 : memref<128x128xf32, #tpu.memory_space<vmem>>) target(%dma_start3A_146 : memref<128x128xf32, #tpu.memory_space<hbm>>) target_semaphore(%arg25 : memref<!tpu.dma_semaphore, #tpu.memory_space<semaphore_mem>>)
    %dma_wait3A_147 = arith.constant 0 : i32
    %dma_wait3A_148 = arith.constant 0 : i32
    %dma_wait3A_149 = tpu.memref_slice %arg3[%dma_wait3A_147, %dma_wait3A_148] : memref<100000x128xf32, #tpu.memory_space<hbm>> -> memref<128x128xf32, #tpu.memory_space<hbm>>
    %dma_wait3A_150 = arith.constant 0 : i32
    %dma_wait3A_151 = arith.constant 0 : i32
    %dma_wait3A_152 = tpu.memref_slice %arg3[%dma_wait3A_150, %dma_wait3A_151] : memref<100000x128xf32, #tpu.memory_space<hbm>> -> memref<128x128xf32, #tpu.memory_space<hbm>>
    tpu.wait_dma2 semaphore(%arg19 : memref<!tpu.dma_semaphore, #tpu.memory_space<semaphore_mem>>) src(%dma_wait3A_152 : memref<128x128xf32, #tpu.memory_space<hbm>>) dst(%arg12 : memref<128x128xf32, #tpu.memory_space<vmem>>)
    %dma_start3A_153 = arith.constant 48 : i32
    %dma_start3A_154 = arith.constant 0 : i32
    %dma_start3A_155 = tpu.memref_slice %arg4[%dma_start3A_153, %mul3A_2, %dma_start3A_154] : memref<50x4096x128xf32, #tpu.memory_space<hbm>> -> memref<1x128x128xf32, #tpu.memory_space<hbm>>
    %dma_start3A_156 = tpu.memref_squeeze %dma_start3A_155 : memref<1x128x128xf32, #tpu.memory_space<hbm>> -> memref<128x128xf32, #tpu.memory_space<hbm>>
    %dma_start3A_157 = arith.constant 0 : i32
    %dma_start3A_158 = tpu.memref_slice %arg4[%dma_start3A_153, %mul3A_2, %dma_start3A_157] : memref<50x4096x128xf32, #tpu.memory_space<hbm>> -> memref<1x128x128xf32, #tpu.memory_space<hbm>>
    %dma_start3A_159 = tpu.memref_squeeze %dma_start3A_158 : memref<1x128x128xf32, #tpu.memory_space<hbm>> -> memref<128x128xf32, #tpu.memory_space<hbm>>
    tpu.enqueue_dma source(%arg12 : memref<128x128xf32, #tpu.memory_space<vmem>>) target(%dma_start3A_159 : memref<128x128xf32, #tpu.memory_space<hbm>>) target_semaphore(%arg26 : memref<!tpu.dma_semaphore, #tpu.memory_space<semaphore_mem>>)
    %dma_wait3A_160 = arith.constant 0 : i32
    %dma_wait3A_161 = arith.constant 0 : i32
    %dma_wait3A_162 = tpu.memref_slice %arg3[%dma_wait3A_160, %dma_wait3A_161] : memref<100000x128xf32, #tpu.memory_space<hbm>> -> memref<128x128xf32, #tpu.memory_space<hbm>>
    %dma_wait3A_163 = arith.constant 0 : i32
    %dma_wait3A_164 = arith.constant 0 : i32
    %dma_wait3A_165 = tpu.memref_slice %arg3[%dma_wait3A_163, %dma_wait3A_164] : memref<100000x128xf32, #tpu.memory_space<hbm>> -> memref<128x128xf32, #tpu.memory_space<hbm>>
    tpu.wait_dma2 semaphore(%arg13 : memref<!tpu.dma_semaphore, #tpu.memory_space<semaphore_mem>>) src(%dma_wait3A_165 : memref<128x128xf32, #tpu.memory_space<hbm>>) dst(%arg6 : memref<128x128xf32, #tpu.memory_space<vmem>>)
    %dma_start3A_166 = arith.constant 49 : i32
    %dma_start3A_167 = arith.constant 0 : i32
    %dma_start3A_168 = tpu.memref_slice %arg4[%dma_start3A_166, %mul3A_2, %dma_start3A_167] : memref<50x4096x128xf32, #tpu.memory_space<hbm>> -> memref<1x128x128xf32, #tpu.memory_space<hbm>>
    %dma_start3A_169 = tpu.memref_squeeze %dma_start3A_168 : memref<1x128x128xf32, #tpu.memory_space<hbm>> -> memref<128x128xf32, #tpu.memory_space<hbm>>
    %dma_start3A_170 = arith.constant 0 : i32
    %dma_start3A_171 = tpu.memref_slice %arg4[%dma_start3A_166, %mul3A_2, %dma_start3A_170] : memref<50x4096x128xf32, #tpu.memory_space<hbm>> -> memref<1x128x128xf32, #tpu.memory_space<hbm>>
    %dma_start3A_172 = tpu.memref_squeeze %dma_start3A_171 : memref<1x128x128xf32, #tpu.memory_space<hbm>> -> memref<128x128xf32, #tpu.memory_space<hbm>>
    tpu.enqueue_dma source(%arg6 : memref<128x128xf32, #tpu.memory_space<vmem>>) target(%dma_start3A_172 : memref<128x128xf32, #tpu.memory_space<hbm>>) target_semaphore(%arg20 : memref<!tpu.dma_semaphore, #tpu.memory_space<semaphore_mem>>)
    %dma_wait3A_173 = arith.constant 0 : i32
    %dma_wait3A_174 = arith.constant 0 : i32
    %dma_wait3A_175 = tpu.memref_slice %arg4[%dma_wait3A_173, %mul3A_2, %dma_wait3A_174] : memref<50x4096x128xf32, #tpu.memory_space<hbm>> -> memref<1x128x128xf32, #tpu.memory_space<hbm>>
    %dma_wait3A_176 = tpu.memref_squeeze %dma_wait3A_175 : memref<1x128x128xf32, #tpu.memory_space<hbm>> -> memref<128x128xf32, #tpu.memory_space<hbm>>
    %dma_wait3A_177 = arith.constant 0 : i32
    %dma_wait3A_178 = tpu.memref_slice %arg4[%dma_wait3A_173, %mul3A_2, %dma_wait3A_177] : memref<50x4096x128xf32, #tpu.memory_space<hbm>> -> memref<1x128x128xf32, #tpu.memory_space<hbm>>
    %dma_wait3A_179 = tpu.memref_squeeze %dma_wait3A_178 : memref<1x128x128xf32, #tpu.memory_space<hbm>> -> memref<128x128xf32, #tpu.memory_space<hbm>>
    tpu.wait_dma2 semaphore(%arg20 : memref<!tpu.dma_semaphore, #tpu.memory_space<semaphore_mem>>) src(%arg6 : memref<128x128xf32, #tpu.memory_space<vmem>>) dst(%dma_wait3A_179 : memref<128x128xf32, #tpu.memory_space<hbm>>)
    %dma_wait3A_180 = arith.constant 0 : i32
    %dma_wait3A_181 = arith.constant 0 : i32
    %dma_wait3A_182 = tpu.memref_slice %arg4[%dma_wait3A_180, %mul3A_2, %dma_wait3A_181] : memref<50x4096x128xf32, #tpu.memory_space<hbm>> -> memref<1x128x128xf32, #tpu.memory_space<hbm>>
    %dma_wait3A_183 = tpu.memref_squeeze %dma_wait3A_182 : memref<1x128x128xf32, #tpu.memory_space<hbm>> -> memref<128x128xf32, #tpu.memory_space<hbm>>
    %dma_wait3A_184 = arith.constant 0 : i32
    %dma_wait3A_185 = tpu.memref_slice %arg4[%dma_wait3A_180, %mul3A_2, %dma_wait3A_184] : memref<50x4096x128xf32, #tpu.memory_space<hbm>> -> memref<1x128x128xf32, #tpu.memory_space<hbm>>
    %dma_wait3A_186 = tpu.memref_squeeze %dma_wait3A_185 : memref<1x128x128xf32, #tpu.memory_space<hbm>> -> memref<128x128xf32, #tpu.memory_space<hbm>>
    tpu.wait_dma2 semaphore(%arg21 : memref<!tpu.dma_semaphore, #tpu.memory_space<semaphore_mem>>) src(%arg7 : memref<128x128xf32, #tpu.memory_space<vmem>>) dst(%dma_wait3A_186 : memref<128x128xf32, #tpu.memory_space<hbm>>)
    %dma_wait3A_187 = arith.constant 0 : i32
    %dma_wait3A_188 = arith.constant 0 : i32
    %dma_wait3A_189 = tpu.memref_slice %arg4[%dma_wait3A_187, %mul3A_2, %dma_wait3A_188] : memref<50x4096x128xf32, #tpu.memory_space<hbm>> -> memref<1x128x128xf32, #tpu.memory_space<hbm>>
    %dma_wait3A_190 = tpu.memref_squeeze %dma_wait3A_189 : memref<1x128x128xf32, #tpu.memory_space<hbm>> -> memref<128x128xf32, #tpu.memory_space<hbm>>
    %dma_wait3A_191 = arith.constant 0 : i32
    %dma_wait3A_192 = tpu.memref_slice %arg4[%dma_wait3A_187, %mul3A_2, %dma_wait3A_191] : memref<50x4096x128xf32, #tpu.memory_space<hbm>> -> memref<1x128x128xf32, #tpu.memory_space<hbm>>
    %dma_wait3A_193 = tpu.memref_squeeze %dma_wait3A_192 : memref<1x128x128xf32, #tpu.memory_space<hbm>> -> memref<128x128xf32, #tpu.memory_space<hbm>>
    tpu.wait_dma2 semaphore(%arg22 : memref<!tpu.dma_semaphore, #tpu.memory_space<semaphore_mem>>) src(%arg8 : memref<128x128xf32, #tpu.memory_space<vmem>>) dst(%dma_wait3A_193 : memref<128x128xf32, #tpu.memory_space<hbm>>)
    %dma_wait3A_194 = arith.constant 0 : i32
    %dma_wait3A_195 = arith.constant 0 : i32
    %dma_wait3A_196 = tpu.memref_slice %arg4[%dma_wait3A_194, %mul3A_2, %dma_wait3A_195] : memref<50x4096x128xf32, #tpu.memory_space<hbm>> -> memref<1x128x128xf32, #tpu.memory_space<hbm>>
    %dma_wait3A_197 = tpu.memref_squeeze %dma_wait3A_196 : memref<1x128x128xf32, #tpu.memory_space<hbm>> -> memref<128x128xf32, #tpu.memory_space<hbm>>
    %dma_wait3A_198 = arith.constant 0 : i32
    %dma_wait3A_199 = tpu.memref_slice %arg4[%dma_wait3A_194, %mul3A_2, %dma_wait3A_198] : memref<50x4096x128xf32, #tpu.memory_space<hbm>> -> memref<1x128x128xf32, #tpu.memory_space<hbm>>
    %dma_wait3A_200 = tpu.memref_squeeze %dma_wait3A_199 : memref<1x128x128xf32, #tpu.memory_space<hbm>> -> memref<128x128xf32, #tpu.memory_space<hbm>>
    tpu.wait_dma2 semaphore(%arg23 : memref<!tpu.dma_semaphore, #tpu.memory_space<semaphore_mem>>) src(%arg9 : memref<128x128xf32, #tpu.memory_space<vmem>>) dst(%dma_wait3A_200 : memref<128x128xf32, #tpu.memory_space<hbm>>)
    %dma_wait3A_201 = arith.constant 0 : i32
    %dma_wait3A_202 = arith.constant 0 : i32
    %dma_wait3A_203 = tpu.memref_slice %arg4[%dma_wait3A_201, %mul3A_2, %dma_wait3A_202] : memref<50x4096x128xf32, #tpu.memory_space<hbm>> -> memref<1x128x128xf32, #tpu.memory_space<hbm>>
    %dma_wait3A_204 = tpu.memref_squeeze %dma_wait3A_203 : memref<1x128x128xf32, #tpu.memory_space<hbm>> -> memref<128x128xf32, #tpu.memory_space<hbm>>
    %dma_wait3A_205 = arith.constant 0 : i32
    %dma_wait3A_206 = tpu.memref_slice %arg4[%dma_wait3A_201, %mul3A_2, %dma_wait3A_205] : memref<50x4096x128xf32, #tpu.memory_space<hbm>> -> memref<1x128x128xf32, #tpu.memory_space<hbm>>
    %dma_wait3A_207 = tpu.memref_squeeze %dma_wait3A_206 : memref<1x128x128xf32, #tpu.memory_space<hbm>> -> memref<128x128xf32, #tpu.memory_space<hbm>>
    tpu.wait_dma2 semaphore(%arg24 : memref<!tpu.dma_semaphore, #tpu.memory_space<semaphore_mem>>) src(%arg10 : memref<128x128xf32, #tpu.memory_space<vmem>>) dst(%dma_wait3A_207 : memref<128x128xf32, #tpu.memory_space<hbm>>)
    %dma_wait3A_208 = arith.constant 0 : i32
    %dma_wait3A_209 = arith.constant 0 : i32
    %dma_wait3A_210 = tpu.memref_slice %arg4[%dma_wait3A_208, %mul3A_2, %dma_wait3A_209] : memref<50x4096x128xf32, #tpu.memory_space<hbm>> -> memref<1x128x128xf32, #tpu.memory_space<hbm>>
    %dma_wait3A_211 = tpu.memref_squeeze %dma_wait3A_210 : memref<1x128x128xf32, #tpu.memory_space<hbm>> -> memref<128x128xf32, #tpu.memory_space<hbm>>
    %dma_wait3A_212 = arith.constant 0 : i32
    %dma_wait3A_213 = tpu.memref_slice %arg4[%dma_wait3A_208, %mul3A_2, %dma_wait3A_212] : memref<50x4096x128xf32, #tpu.memory_space<hbm>> -> memref<1x128x128xf32, #tpu.memory_space<hbm>>
    %dma_wait3A_214 = tpu.memref_squeeze %dma_wait3A_213 : memref<1x128x128xf32, #tpu.memory_space<hbm>> -> memref<128x128xf32, #tpu.memory_space<hbm>>
    tpu.wait_dma2 semaphore(%arg25 : memref<!tpu.dma_semaphore, #tpu.memory_space<semaphore_mem>>) src(%arg11 : memref<128x128xf32, #tpu.memory_space<vmem>>) dst(%dma_wait3A_214 : memref<128x128xf32, #tpu.memory_space<hbm>>)
    %dma_wait3A_215 = arith.constant 0 : i32
    %dma_wait3A_216 = arith.constant 0 : i32
    %dma_wait3A_217 = tpu.memref_slice %arg4[%dma_wait3A_215, %mul3A_2, %dma_wait3A_216] : memref<50x4096x128xf32, #tpu.memory_space<hbm>> -> memref<1x128x128xf32, #tpu.memory_space<hbm>>
    %dma_wait3A_218 = tpu.memref_squeeze %dma_wait3A_217 : memref<1x128x128xf32, #tpu.memory_space<hbm>> -> memref<128x128xf32, #tpu.memory_space<hbm>>
    %dma_wait3A_219 = arith.constant 0 : i32
    %dma_wait3A_220 = tpu.memref_slice %arg4[%dma_wait3A_215, %mul3A_2, %dma_wait3A_219] : memref<50x4096x128xf32, #tpu.memory_space<hbm>> -> memref<1x128x128xf32, #tpu.memory_space<hbm>>
    %dma_wait3A_221 = tpu.memref_squeeze %dma_wait3A_220 : memref<1x128x128xf32, #tpu.memory_space<hbm>> -> memref<128x128xf32, #tpu.memory_space<hbm>>
    tpu.wait_dma2 semaphore(%arg26 : memref<!tpu.dma_semaphore, #tpu.memory_space<semaphore_mem>>) src(%arg12 : memref<128x128xf32, #tpu.memory_space<vmem>>) dst(%dma_wait3A_221 : memref<128x128xf32, #tpu.memory_space<hbm>>)
    return
  }
}

</mosaic_0001>

<sc_bundles>
// kernel: _embed.3.cloned.1.call-start
scs
__scs_entry_jumppad:
0x0: {  	(pc) =	sbr.rel $0x88, $3  }
0x1: {  	(tag) =	ssettag $0x0;
	lr =	simm.s32 $0x1  }
0x2: {  	[smem:$0x3F9F] =	sst lr;
	_ =	strace $0xD0000000  }
0x3: {  	_ = 	snop  }
0x4: {  	_ = 	snop  }
0x5: {  	_ = 	snop  }
0x6: {  	_ = 	snop  }
0x7: {  	_ = 	snop  }
__scs_overlays_trampoline_lowered:
0x8: {  	[smem:$0x3FAE] =	sst s0  }
0x9: {  	[smem:$0x3FAF] =	sst s1  }
0xa: {  	[smem:$0x3FB0] =	sst s2  }
0xb: {  	[smem:$0x3FB1] =	sst s3  }
0xc: {  	[smem:$0x3FB2] =	sst s4  }
0xd: {  	[smem:$0x3FB3] =	sst s5  }
0xe: {  	[smem:$0x3FB4] =	sst s6  }
0xf: {  	[smem:$0x3FB5] =	sst s7  }
0x10: {  	[smem:$0x3FB6] =	sst s8  }
0x11: {  	[smem:$0x3FB7] =	sst s9;
	s0 =	simm.s32 @!p0 $0x0  }
0x12: {  	s1 =	sld [smem:$0x3F9D];
	s0 =	simm.s32 @p0 $0x1  }
0x13: {  	[smem:$0x3FB8] =	sst s0;
	s0 =	simm.s32 @!p1 $0x0  }
0x14: {  	s2 =	sld [smem:$0x3F9C];
	s0 =	simm.s32 @p1 $0x1  }
0x15: {  	[smem:$0x3FB9] =	sst s0;
	s0 =	simm.s32 @!p2 $0x0  }
0x16: {  	s3 =	sld [smem:$0x3FDB];
	s0 =	simm.s32 @p2 $0x1  }
0x17: {  	s4 =	simm.s32 $0x1BF5;
	[smem:$0x3FBB] =	sst s0  }
0x18: {  	s0 =	sld [smem:$0x3F9E];
	_ =	swait.ge [sflag:s4], $0x0  }
0x19: {  	s7 =	sld [smem:$0x3F9F]  }
0x1a: {  	s8 =	sadd.s32 $0xFFFFE003, lr  }
0x1b: {  	s9 =	sadd.s32 $0xFFFFFEF7, lr;
	s5 =	simm.s32 $0xFFFFFFFF;
	p2 =	slt.u32 s8, $0xFFFFF086  }
0x1c: {  	p1 =	slt.u32 s9, $0xF7A;
	s5 =	simm.s32 @!p2 $0x0  }
0x1d: {  	s5 =	simm.s32 @p1 $0x1;
	p0 =	seq.s32 s7, s2  }
0x1e: {  	s7 =	smul.u32 @!p0 $0xF7A, s2;
	p2 =	seq.s32 @!p0 s5, $0x0  }
0x1f: {  	s9 =	smul.u32 $0xF7A, s1;
	s8 =	simm.s32 @!p0 $0x1BF5;
	p2 =	por !p2, p0  }
0x20: {  	[sflag:s8] =	ssyncset.s32 @!p0 $0xFFFFF086;
	s6 =	sadd.s32 @!p0 s3, s7;
	s7 =	simm.s32 @!p0 $0x108  }
0x21: {  	s3 =	sadd.s32 s3, s9;
	s6 =	sadd.s32 @!p0 $0x88, s6;
	s7 =	simm.s32 @p2 $0x1082  }
0x22: {  	[simem:s7], [sflag:s8] =	dma.local @!p0 [hbm:s6], $0xF7A  }
0x23: {  	s9 =	sor.u32 $0xD0000000, s2;
	s6 =	simm.s32 $0x108;
	_ =	swait.ge @!p0 [sflag:s8], $0x0  }
0x24: {  	s3 =	sadd.s32 $0x88, s3;
	s6 =	simm.s32 @!p1 $0x1082;
	[sflag:s4] =	ssyncset.s32 $0xFFFFF086  }
0x25: {  	[simem:s6], [sflag:s4] =	dma.local [hbm:s3], $0xF7A  }
0x26: {  	[smem:$0x3F9F] =	sst s1;
	(tag) =	ssettag s2;
	_ =	strace s9  }
0x27: {  	s1 =	sld [smem:$0x3FAF]  }
0x28: {  	s2 =	sld [smem:$0x3FB0]  }
0x29: {  	s4 =	sld [smem:$0x3FB2]  }
0x2a: {  	p0 =	seq.s32 s5, $0x0;
	s5 =	sld [smem:$0x3FB3]  }
0x2b: {  	s6 =	sld [smem:$0x3FB4]  }
0x2c: {  	s7 =	sld [smem:$0x3FB5]  }
0x2d: {  	s3 =	simm.s32 $0x108;
	s8 =	sld [smem:$0x3FB6]  }
0x2e: {  	s3 =	simm.s32 @!p0 $0x1082;
	s9 =	sld [smem:$0x3FB7]  }
0x2f: {  	lr =	sadd.s32 s0, s3;
	s0 =	sld [smem:$0x3FAE]  }
0x30: {  	s3 =	sld [smem:$0x3FB1]  }
0x31: {  	[smem:$0x3FBA] =	sst s10  }
0x32: {  	s10 =	sld [smem:$0x3FB8];
	_ =	sdelay $0x3  }
0x33: {  	p0 =	seq.s32 s10, $0x1;
	s10 =	sld [smem:$0x3FBA];
	_ =	sdelay $0x3  }
0x34: {  	[smem:$0x3FBA] =	sst s10  }
0x35: {  	s10 =	sld [smem:$0x3FB9];
	_ =	sdelay $0x3  }
0x36: {  	p1 =	seq.s32 s10, $0x1;
	s10 =	sld [smem:$0x3FBA];
	_ =	sdelay $0x3  }
0x37: {  	[smem:$0x3FBA] =	sst s10  }
0x38: {  	s10 =	sld [smem:$0x3FBB]  }
0x39: {  	_ = 	snop;
	(pc) =	sbr.ind lr, $3  }
0x3a: {  	_ = 	snop  }
0x3b: {  	_ = 	snop  }
0x3c: {  	p2 =	seq.s32 s10, $0x1;
	s10 =	sld [smem:$0x3FBA]  }
0x3d: {  	_ =	shalt  }
0x3e: {  	_ =	shalt  }
0x3f: {  	_ =	shalt  }
0x40: {  	_ =	shalt  }
0x41: {  	_ =	shalt  }
0x42: {  	_ =	shalt  }
0x43: {  	_ =	shalt  }
0x44: {  	_ =	shalt  }
0x45: {  	_ =	shalt  }
0x46: {  	_ =	shalt  }
0x47: {  	_ =	shalt  }
0x48: {  	_ =	shalt  }
0x49: {  	_ =	shalt  }
0x4a: {  	_ =	shalt  }
0x4b: {  	_ =	shalt  }
0x4c: {  	_ =	shalt  }
0x4d: {  	_ =	shalt  }
0x4e: {  	_ =	shalt  }
0x4f: {  	_ =	shalt  }
0x50: {  	_ =	shalt  }
0x51: {  	_ =	shalt  }
0x52: {  	_ =	shalt  }
0x53: {  	_ =	shalt  }
0x54: {  	_ =	shalt  }
0x55: {  	_ =	shalt  }
0x56: {  	_ =	shalt  }
0x57: {  	_ =	shalt  }
0x58: {  	_ =	shalt  }
0x59: {  	_ =	shalt  }
0x5a: {  	_ =	shalt  }
0x5b: {  	_ =	shalt  }
0x5c: {  	_ =	shalt  }
0x5d: {  	_ =	shalt  }
0x5e: {  	_ =	shalt  }
0x5f: {  	_ =	shalt  }
0x60: {  	_ =	shalt  }
0x61: {  	_ =	shalt  }
0x62: {  	_ =	shalt  }
0x63: {  	_ =	shalt  }
0x64: {  	_ =	shalt  }
0x65: {  	_ =	shalt  }
0x66: {  	_ =	shalt  }
0x67: {  	_ =	shalt  }
0x68: {  	_ =	shalt  }
0x69: {  	_ =	shalt  }
0x6a: {  	_ =	shalt  }
0x6b: {  	_ =	shalt  }
0x6c: {  	_ =	shalt  }
0x6d: {  	_ =	shalt  }
0x6e: {  	_ =	shalt  }
0x6f: {  	_ =	shalt  }
0x70: {  	_ =	shalt  }
0x71: {  	_ =	shalt  }
0x72: {  	_ =	shalt  }
0x73: {  	_ =	shalt  }
0x74: {  	_ =	shalt  }
0x75: {  	_ =	shalt  }
0x76: {  	_ =	shalt  }
0x77: {  	_ =	shalt  }
0x78: {  	_ =	shalt  }
0x79: {  	_ =	shalt  }
0x7a: {  	_ =	shalt  }
0x7b: {  	_ =	shalt  }
0x7c: {  	_ =	shalt  }
0x7d: {  	_ =	shalt  }
0x7e: {  	_ =	shalt  }
0x7f: {  	_ =	shalt  }
0x80: {  	_ =	shalt  }
0x81: {  	_ =	shalt  }
0x82: {  	_ =	shalt  }
0x83: {  	_ =	shalt  }
0x84: {  	_ =	shalt  }
0x85: {  	_ =	shalt  }
0x86: {  	_ =	shalt  }
0x87: {  	_ =	shalt  }
.Lfunc_end0:
.L_simem_size_0:
called_computation_lowered:
.L_overlay_start_0:
0x88: {  	s2 =	sld [smem:$0x3FD9]  }
0x89: {  	s3 =	sld [smem:$0x3FFE];
	_ =	sdelay $0x1  }
0x8a: {  	s1 =	srdreg.scid  }
0x8b: {  	s0 =	sand.u32 $0x1, s1  }
0x8c: {  	s18 =	sshll.u32 s0, $0xA;
	s2 =	sadd.s32 s3, s2  }
0x8d: {  	s2 =	sadd.s32 s2, s18  }
0x8e: {  	[smem:$0x3FC6] =	sst s2  }
0x8f: {  	_ = 	snop  }
0x90: {  	s2 =	sld [smem:$0x3FC9]  }
0x91: {  	s19 =	sld [smem:$0x3FC8]  }
0x92: {  	s4 =	sld [smem:$0x3FD0];
	(tm) =	ssettm $0x1  }
0x93: {  	s5 =	sld [smem:$0x3FFB];
	_ =	sdelay $0x3  }
0x94: {  	_ =	strace s5  }
0x95: {  	s5 =	sld [smem:$0x3FFC];
	_ =	sdelay $0x3  }
0x96: {  	_ =	strace s5  }
0x97: {  	s5 =	sld [smem:$0x3FFD];
	_ =	sdelay $0x3  }
0x98: {  	_ =	strace s5  }
0x99: {  	_ =	strace $0x8FFFFFFF  }
0x9a: {  	s20 =	sld [smem:$0x3FDB];
	_ =	sdelay $0x1  }
0x9b: {  	s6 =	simm.s32 $_scs_section_size  }
0x9c: {  	s7 =	simm.s32 $_size__tile_overlayer_lowered;
	s8 =	simm.s32 $_tile_overlayer_lowered  }
0x9d: {  	s23 =	simm.s32 $0x1BFF;
	s22 =	sshll.u32 s8, $0x1;
	s5 =	sadd.s32 s6, s20  }
0x9e: {  	s9 =	simm.s32 $0x0;
	s21 =	sshll.u32 s7, $0x1;
	s7 =	sadd.s32 s22, s5  }
0x9f: {  	[timem:s9], [sflag:s23] =	dma.local [hbm:s7], s21  }
0xa0: {  	_ =	swait.ge [sflag:s23], s21  }
0xa1: {  	s6 =	ssub.s32 $0x0, s21;
	[sflag:s23] =	ssyncset.done $0x0  }
0xa2: {  	[sflag:s23] =	ssyncadd.s32 s6;
	_ =	sdelay $0x1  }
0xa3: {  	s24 =	simm.s32 $0x1B8B  }
0xa4: {  	_ =	swait.ge [sflag:s24], $0x1  }
0xa5: {  	[sflag:s24] =	ssyncset.done $0x0  }
0xa6: {  	s25 =	simm.s32 $0x1B8E;
	[sflag:s24] =	ssyncadd.s32 $0xFFFFFFFF  }
0xa7: {  	s26 =	simm.s32 $execute0_lowered;
	[smem:$0x3FD2] =	sst s25  }
0xa8: {  	s6 =	sshll.u32 s26, $0x1;
	_ =	strace $0x80000046;
	[dreg:$0x1] =	wrdreg $0xFFFFFFFF  }
0xa9: {  	s28 =	simm.s32 $_size_execute0_lowered;
	s5 =	sadd.s32 s5, s6;
	[dreg:$0x0] =	wrdreg $0x0  }
0xaa: {  	s6 =	sshll.u32 s28, $0x1;
	[dreg:$0x2] =	wrdreg s5  }
0xab: {  	[dreg:$0x3] =	wrdreg s6  }
0xac: {  	[dreg:$0x4] =	wrdreg $0xC0  }
0xad: {  	_ =	task [dreg:s9], $0x5FFFF  }
0xae: {  	[dreg:$0x1] =	wrdreg $0xFFFFFFFF  }
0xaf: {  	[dreg:$0x0] =	wrdreg $0x60  }
0xb0: {  	[dreg:$0x2] =	wrdreg s2  }
0xb1: {  	[dreg:$0x3] =	wrdreg s19  }
0xb2: {  	[dreg:$0x4] =	wrdreg s4  }
0xb3: {  	[dreg:$0x5] =	wrdreg $0x9  }
0xb4: {  	_ =	task.clear_ibuf [dreg:s9], $0x6FFFF;
	_ =	strace $0x90000046  }
0xb5: {  	s29 =	simm.s32 $0x9;
	_ =	strace $0x80000048  }
0xb6: {  	_ =	swait.ge [sflag:s29], $0x1  }
0xb7: {  	[sflag:s29] =	ssyncadd.s32 $0xFFFFFFFF  }
0xb8: {  	_ =	strace $0x90000048  }
0xb9: {  	_ =	sfence  }
0xba: {  	s30 =	sld [smem:$0x0];
	_ =	sdelay $0x2  }
0xbb: {  	s31 =	sshll.u32 s1, $0xD;
	s1 =	sshrl.u32 s1, $0x2  }
0xbc: {  	s3 =	sand.u32 $0x4000, s31;
	s1 =	sadd.s32 s1, s30  }
0xbd: {  	s0 =	sor.u32 s3, s0;
	s1 =	sshll.u32 s1, $0x11  }
0xbe: {  	s0 =	sor.u32 s1, s0  }
0xbf: {  	s0 =	sadd.s32 $0x8F2B, s0  }
0xc0: {  	[sflag:s0] =	ssyncadd.remote.s32 $0x1  }
0xc1: {  	_ =	sfence.sel $0xFFFF  }
0xc2: {  	[dreg:$0x0] =	wrdreg $0xFFFFFFFF;
	(pc) =	sbr.abs _section_cstart, $3  }
0xc3: {  	[dreg:$0x1] =	wrdreg $0xFFFFFFFF  }
0xc4: {  	_ =	task.clear_ibuf [dreg:s9], $0x2FFFF;
	_ =	strace $0x9FFFFFFF  }
0xc5: {  	(tm) =	ssettm $0x7FFFFFFF  }
tec
execute0_lowered:
.L_overlay_start_1:
0x0: {  	(tag) =	ssettag $0x1  }
0x1: {  	s0 =	rddreg [dreg:$0x0]  }
0x2: {  	s2 =	rddreg [dreg:$0x1]  }
0x3: {  	s3 =	rddreg [dreg:$0x2]  }
0x4: {  	s1 =	srdreg.scid;
	s8 =	stileid.u32  }
0x5: {  	s4 =	simm.s32 $0x0;
	s29 =	simm.s32 $0x11C00;
	s31 =	simm.s32 $0x15C00  }
0x6: {  	s28 =	simm.s32 $0xA;
	s1 =	sand.u32 $0x1, s1;
	s5 =	sshll.u32 s8, $0x8  }
0x7: {  	[smem:$0x7FF] =	sst s4;
	s8 =	sshll.u32 s8, $0xF;
	s6 =	sshll.u32 s1, $0x7  }
0x8: {  	s7 =	ssub.s32 $0x2, s1;
	_ =	strace $0x80000047;
	s1 =	sshll.u32 s1, $0xE  }
0x9: {  	s5 =	sor.u32 s6, s5;
	s26 =	sshrl.u32 s7, $0x1;
	s1 =	sor.u32 s1, s8  }
0xa: {  	s9 =	sadd.s32 s0, s5;
	s13 =	sor.u32 $0x300000, s1;
	s15 =	sor.u32 $0x280000, s1  }
0xb: {  	s17 =	sor.u32 $0x200000, s1;
	s19 =	sor.u32 $0x180000, s1;
	s21 =	sor.u32 $0x100000, s1  }
0xc: {  	s23 =	sor.u32 $0x80000, s1;
	s1 =	sshrl.u32 s1, $0x3;
	[dreg:$0xb] =	wrdreg s9  }
0xd: {  	s0 =	ssub.s32 s7, s26;
	s7 =	sadd.s32 $0x6000, s9;
	[dreg:$0xa] =	wrdreg s1  }
0xe: {  	s30 =	simm.s32 $0x4;
	s6 =	sshrl.u32 s13, $0x3;
	[dreg:$0xc] =	wrdreg s7  }
0xf: {  	s8 =	simm.s32 $0x6;
	s16 =	sshrl.u32 s15, $0x3;
	[dreg:$0x4] =	wrdreg s6  }
0x10: {  	s5 =	sshll.u32 s5, $0x4;
	s18 =	sshrl.u32 s17, $0x3;
	[dreg:$0x5] =	wrdreg s16  }
0x11: {  	s5 =	sadd.s32 s5, s3;
	s20 =	sshrl.u32 s19, $0x3;
	[dreg:$0x6] =	wrdreg s18  }
0x12: {  	s22 =	sshrl.u32 s21, $0x3;
	s25 =	sshrl.u32 s23, $0x3;
	[dreg:$0x7] =	wrdreg s20  }
0x13: {  	s0 =	smax.u32 s0, $0x1;
	s19 =	simm.s32 $0xF;
	[dreg:$0x8] =	wrdreg s22  }
0x14: {  	s21 =	simm.s32 $0x1C00;
	s1 =	simm.s32 $0x19C00;
	[dreg:$0x9] =	wrdreg s25  }
0x15: {  	s17 =	simm.s32 $0x8;
	s9 =	sadd.s32 $0x2A0000, s5;
	[dreg:$0x15] =	wrdreg s0  }
0x16: {  	s23 =	simm.s32 $0x9;
	s10 =	sadd.s32 $0x2B0000, s5;
	[dreg:$0xd] =	wrdreg s9  }
0x17: {  	s11 =	sadd.s32 $0x2C0000, s5;
	s12 =	sadd.s32 $0x2D0000, s5;
	[dreg:$0xe] =	wrdreg s10  }
0x18: {  	s14 =	sadd.s32 $0x2E0000, s5;
	s24 =	sadd.s32 $0x2F0000, s5;
	[dreg:$0xf] =	wrdreg s11  }
0x19: {  	s26 =	sadd.s32 $0x300000, s5;
	s5 =	sadd.s32 $0x310000, s5;
	[dreg:$0x10] =	wrdreg s12  }
0x1a: {  	s20 =	simm.s32 $0x80;
	s22 =	simm.s32 $0x5C00;
	[dreg:$0x11] =	wrdreg s14  }
0x1b: {  	s16 =	simm.s32 $0x1;
	s18 =	simm.s32 $0x2;
	[dreg:$0x12] =	wrdreg s24  }
0x1c: {  	s25 =	simm.s32 $0x3;
	s0 =	simm.s32 $0xB;
	[dreg:$0x13] =	wrdreg s26  }
0x1d: {  	s6 =	simm.s32 $0x5;
	s7 =	simm.s32 $0xC;
	[dreg:$0x14] =	wrdreg s5  }
0x1e: {  	s24 =	simm.s32 $0x9C00;
	s26 =	simm.s32 $0xDC00;
	s9 =	simm.s32 $0xD  }
0x1f: {  	s10 =	simm.s32 $0x7;
	s5 =	simm.s32 $0xE;
	s11 =	simm.s32 $0x0  }
.LBB2_1:
0x20: {  	s12 =	rddreg [dreg:$0xb];
	s13 =	simm.s32 $0x400;
	s14 =	simm.s32 $0x8000  }
0x21: {  	[tilespmem:s4], [sflag:$0xF] =	stream.strided.gather [hbm4b:s12+s13], $0x1800, s14, s13, $0x38;
	[tilespmem:$0x1DC00] =	vst v63  }
0x22: {  	s15 =	simm.s32 $0x1800;
	s14 =	rddreg [dreg:$0xc]  }
0x23: {  	[tilespmem:s15], [sflag:$0xF] =	stream.linear.gather [hbm4b:s14+s4], $0x100, $0x38;
	[tilespmem:$0x1DC00] =	vst v63  }
0x24: {  	_ =	swait.ge [sflag:s19], $0x1900  }
0x25: {  	[sflag:s19] =	ssyncset.done $0x0  }
0x26: {  	[sflag:s19] =	ssyncadd.s32 $0xFFFFE700  }
0x27: {  	[tilespmem:s21], [sflag:$0x1] =	stream.indirect.gather [hbm4b:s2+s20], $0x80, s4, s20, $0xb8;
	[tilespmem:$0x1DC00] =	vst v63  }
0x28: {  	_ = 	snop  }
0x29: {  	[tilespmem:s22], [sflag:$0x2] =	stream.indirect.gather [hbm4b:s2+s20], $0x80, s20, s20, $0xb8;
	[tilespmem:$0x1DC00] =	vst v63  }
0x2a: {  	s13 =	simm.s32 $0x100  }
0x2b: {  	[tilespmem:s24], [sflag:$0x3] =	stream.indirect.gather [hbm4b:s2+s20], $0x80, s13, s20, $0xb8;
	[tilespmem:$0x1DC00] =	vst v63  }
0x2c: {  	s14 =	simm.s32 $0x180  }
0x2d: {  	[tilespmem:s26], [sflag:$0x4] =	stream.indirect.gather [hbm4b:s2+s20], $0x80, s14, s20, $0xb8;
	[tilespmem:$0x1DC00] =	vst v63  }
0x2e: {  	s15 =	simm.s32 $0x200  }
0x2f: {  	[tilespmem:s29], [sflag:$0x5] =	stream.indirect.gather [hbm4b:s2+s20], $0x80, s15, s20, $0xb8;
	[tilespmem:$0x1DC00] =	vst v63  }
0x30: {  	s13 =	simm.s32 $0x280  }
0x31: {  	[tilespmem:s31], [sflag:$0x6] =	stream.indirect.gather [hbm4b:s2+s20], $0x80, s13, s20, $0xb8;
	[tilespmem:$0x1DC00] =	vst v63  }
0x32: {  	s14 =	simm.s32 $0x300  }
0x33: {  	[tilespmem:s1], [sflag:$0x7] =	stream.indirect.gather [hbm4b:s2+s20], $0x80, s14, s20, $0xb8;
	[tilespmem:$0x1DC00] =	vst v63  }
0x34: {  	_ =	swait.ge [sflag:s16], $0x4000  }
0x35: {  	s15 =	rddreg [dreg:$0xa];
	[sflag:s16] =	ssyncset.done $0x0  }
0x36: {  	[sflag:s16] =	ssyncadd.s32 $0xFFFFC000;
	s12 =	sadd.s32 s3, s15  }
0x37: {  	[hbm4b:s12+s4] =	stream.linear.scatter [tilespmem:s21], [sflag:$0x8], $0x4000, $0x38;
	[tilespmem:$0x1DC00] =	vst v63  }
0x38: {  	_ =	swait.ge [sflag:s17], $0x4000  }
0x39: {  	[sflag:s17] =	ssyncset.done $0x0  }
0x3a: {  	s13 =	simm.s32 $0x380;
	[sflag:s17] =	ssyncadd.s32 $0xFFFFC000  }
0x3b: {  	[tilespmem:s21], [sflag:$0x1] =	stream.indirect.gather [hbm4b:s2+s20], $0x80, s13, s20, $0xb8;
	[tilespmem:$0x1DC00] =	vst v63  }
0x3c: {  	_ =	swait.ge [sflag:s18], $0x4000  }
0x3d: {  	s14 =	rddreg [dreg:$0x9];
	[sflag:s18] =	ssyncset.done $0x0  }
0x3e: {  	[sflag:s18] =	ssyncadd.s32 $0xFFFFC000;
	s12 =	sadd.s32 s3, s14  }
0x3f: {  	[hbm4b:s12+s4] =	stream.linear.scatter [tilespmem:s22], [sflag:$0x9], $0x4000, $0x38;
	[tilespmem:$0x1DC00] =	vst v63  }
0x40: {  	_ =	swait.ge [sflag:s23], $0x4000  }
0x41: {  	[sflag:s23] =	ssyncset.done $0x0  }
0x42: {  	s15 =	simm.s32 $0x400;
	[sflag:s23] =	ssyncadd.s32 $0xFFFFC000  }
0x43: {  	[tilespmem:s22], [sflag:$0x2] =	stream.indirect.gather [hbm4b:s2+s20], $0x80, s15, s20, $0xb8;
	[tilespmem:$0x1DC00] =	vst v63  }
0x44: {  	_ =	swait.ge [sflag:s25], $0x4000  }
0x45: {  	s13 =	rddreg [dreg:$0x8];
	[sflag:s25] =	ssyncset.done $0x0  }
0x46: {  	[sflag:s25] =	ssyncadd.s32 $0xFFFFC000;
	s12 =	sadd.s32 s3, s13  }
0x47: {  	[hbm4b:s12+s4] =	stream.linear.scatter [tilespmem:s24], [sflag:$0xA], $0x4000, $0x38;
	[tilespmem:$0x1DC00] =	vst v63  }
0x48: {  	_ =	swait.ge [sflag:s28], $0x4000  }
0x49: {  	[sflag:s28] =	ssyncset.done $0x0  }
0x4a: {  	s14 =	simm.s32 $0x480;
	[sflag:s28] =	ssyncadd.s32 $0xFFFFC000  }
0x4b: {  	[tilespmem:s24], [sflag:$0x3] =	stream.indirect.gather [hbm4b:s2+s20], $0x80, s14, s20, $0xb8;
	[tilespmem:$0x1DC00] =	vst v63  }
0x4c: {  	_ =	swait.ge [sflag:s30], $0x4000  }
0x4d: {  	s15 =	rddreg [dreg:$0x7];
	[sflag:s30] =	ssyncset.done $0x0  }
0x4e: {  	[sflag:s30] =	ssyncadd.s32 $0xFFFFC000;
	s12 =	sadd.s32 s3, s15  }
0x4f: {  	[hbm4b:s12+s4] =	stream.linear.scatter [tilespmem:s26], [sflag:$0xB], $0x4000, $0x38;
	[tilespmem:$0x1DC00] =	vst v63  }
0x50: {  	_ =	swait.ge [sflag:s0], $0x4000  }
0x51: {  	[sflag:s0] =	ssyncset.done $0x0  }
0x52: {  	s13 =	simm.s32 $0x500;
	[sflag:s0] =	ssyncadd.s32 $0xFFFFC000  }
0x53: {  	[tilespmem:s26], [sflag:$0x4] =	stream.indirect.gather [hbm4b:s2+s20], $0x80, s13, s20, $0xb8;
	[tilespmem:$0x1DC00] =	vst v63  }
0x54: {  	_ =	swait.ge [sflag:s6], $0x4000  }
0x55: {  	s14 =	rddreg [dreg:$0x6];
	[sflag:s6] =	ssyncset.done $0x0  }
0x56: {  	[sflag:s6] =	ssyncadd.s32 $0xFFFFC000;
	s12 =	sadd.s32 s3, s14  }
0x57: {  	[hbm4b:s12+s4] =	stream.linear.scatter [tilespmem:s29], [sflag:$0xC], $0x4000, $0x38;
	[tilespmem:$0x1DC00] =	vst v63  }
0x58: {  	_ =	swait.ge [sflag:s7], $0x4000  }
0x59: {  	[sflag:s7] =	ssyncset.done $0x0  }
0x5a: {  	s15 =	simm.s32 $0x580;
	[sflag:s7] =	ssyncadd.s32 $0xFFFFC000  }
0x5b: {  	[tilespmem:s29], [sflag:$0x5] =	stream.indirect.gather [hbm4b:s2+s20], $0x80, s15, s20, $0xb8;
	[tilespmem:$0x1DC00] =	vst v63  }
0x5c: {  	_ =	swait.ge [sflag:s8], $0x4000  }
0x5d: {  	s13 =	rddreg [dreg:$0x5];
	[sflag:s8] =	ssyncset.done $0x0  }
0x5e: {  	[sflag:s8] =	ssyncadd.s32 $0xFFFFC000;
	s12 =	sadd.s32 s3, s13  }
0x5f: {  	[hbm4b:s12+s4] =	stream.linear.scatter [tilespmem:s31], [sflag:$0xD], $0x4000, $0x38;
	[tilespmem:$0x1DC00] =	vst v63  }
0x60: {  	_ =	swait.ge [sflag:s9], $0x4000  }
0x61: {  	[sflag:s9] =	ssyncset.done $0x0  }
0x62: {  	s14 =	simm.s32 $0x600;
	[sflag:s9] =	ssyncadd.s32 $0xFFFFC000  }
0x63: {  	[tilespmem:s31], [sflag:$0x6] =	stream.indirect.gather [hbm4b:s2+s20], $0x80, s14, s20, $0xb8;
	[tilespmem:$0x1DC00] =	vst v63  }
0x64: {  	_ =	swait.ge [sflag:s10], $0x4000  }
0x65: {  	s15 =	rddreg [dreg:$0x4];
	[sflag:s10] =	ssyncset.done $0x0  }
0x66: {  	[sflag:s10] =	ssyncadd.s32 $0xFFFFC000;
	s12 =	sadd.s32 s3, s15  }
0x67: {  	[hbm4b:s12+s4] =	stream.linear.scatter [tilespmem:s1], [sflag:$0xE], $0x4000, $0x38;
	[tilespmem:$0x1DC00] =	vst v63  }
0x68: {  	_ =	swait.ge [sflag:s5], $0x4000  }
0x69: {  	s13 =	sadd.s32 $0x70000, s3;
	[sflag:s5] =	ssyncset.done $0x0  }
0x6a: {  	s14 =	simm.s32 $0x680;
	s12 =	simm.s32 $0xE00;
	[sflag:s5] =	ssyncadd.s32 $0xFFFFC000  }
.LBB2_2:
0x6b: {  	[tilespmem:s1], [sflag:$0x7] =	stream.indirect.gather [hbm4b:s2+s20], $0x80, s14, s20, $0xb8;
	[tilespmem:$0x1DC00] =	vst v63  }
0x6c: {  	_ =	swait.ge [sflag:s16], $0x4000  }
0x6d: {  	s15 =	rddreg [dreg:$0xa];
	[sflag:s16] =	ssyncset.done $0x0  }
0x6e: {  	[sflag:s16] =	ssyncadd.s32 $0xFFFFC000;
	s15 =	sadd.s32 s13, s15  }
0x6f: {  	[hbm4b:s15+s4] =	stream.linear.scatter [tilespmem:s21], [sflag:$0x8], $0x4000, $0x38;
	[tilespmem:$0x1DC00] =	vst v63  }
0x70: {  	s14 =	smov.u32 s12;
	_ =	swait.ge [sflag:s17], $0x4000  }
0x71: {  	s14 =	sshra.s32 s14, $0x2;
	[sflag:s17] =	ssyncset.done $0x0  }
0x72: {  	s15 =	sadd.s32 $0x380, s14;
	[sflag:s17] =	ssyncadd.s32 $0xFFFFC000  }
0x73: {  	[tilespmem:s21], [sflag:$0x1] =	stream.indirect.gather [hbm4b:s2+s20], $0x80, s15, s20, $0xb8;
	[tilespmem:$0x1DC00] =	vst v63  }
0x74: {  	_ =	swait.ge [sflag:s18], $0x4000  }
0x75: {  	s15 =	rddreg [dreg:$0x9];
	[sflag:s18] =	ssyncset.done $0x0  }
0x76: {  	[sflag:s18] =	ssyncadd.s32 $0xFFFFC000;
	s15 =	sadd.s32 s13, s15  }
0x77: {  	[hbm4b:s15+s4] =	stream.linear.scatter [tilespmem:s22], [sflag:$0x9], $0x4000, $0x38;
	[tilespmem:$0x1DC00] =	vst v63  }
0x78: {  	_ =	swait.ge [sflag:s23], $0x4000  }
0x79: {  	[sflag:s23] =	ssyncset.done $0x0  }
0x7a: {  	s15 =	sadd.s32 $0x400, s14;
	[sflag:s23] =	ssyncadd.s32 $0xFFFFC000  }
0x7b: {  	[tilespmem:s22], [sflag:$0x2] =	stream.indirect.gather [hbm4b:s2+s20], $0x80, s15, s20, $0xb8;
	[tilespmem:$0x1DC00] =	vst v63  }
0x7c: {  	_ =	swait.ge [sflag:s25], $0x4000  }
0x7d: {  	s15 =	rddreg [dreg:$0x8];
	[sflag:s25] =	ssyncset.done $0x0  }
0x7e: {  	[sflag:s25] =	ssyncadd.s32 $0xFFFFC000;
	s15 =	sadd.s32 s13, s15  }
0x7f: {  	[hbm4b:s15+s4] =	stream.linear.scatter [tilespmem:s24], [sflag:$0xA], $0x4000, $0x38;
	[tilespmem:$0x1DC00] =	vst v63  }
0x80: {  	_ =	swait.ge [sflag:s28], $0x4000  }
0x81: {  	[sflag:s28] =	ssyncset.done $0x0  }
0x82: {  	s15 =	sadd.s32 $0x480, s14;
	[sflag:s28] =	ssyncadd.s32 $0xFFFFC000  }
0x83: {  	[tilespmem:s24], [sflag:$0x3] =	stream.indirect.gather [hbm4b:s2+s20], $0x80, s15, s20, $0xb8;
	[tilespmem:$0x1DC00] =	vst v63  }
0x84: {  	_ =	swait.ge [sflag:s30], $0x4000  }
0x85: {  	s15 =	rddreg [dreg:$0x7];
	[sflag:s30] =	ssyncset.done $0x0  }
0x86: {  	[sflag:s30] =	ssyncadd.s32 $0xFFFFC000;
	s15 =	sadd.s32 s13, s15  }
0x87: {  	[hbm4b:s15+s4] =	stream.linear.scatter [tilespmem:s26], [sflag:$0xB], $0x4000, $0x38;
	[tilespmem:$0x1DC00] =	vst v63  }
0x88: {  	_ =	swait.ge [sflag:s0], $0x4000  }
0x89: {  	[sflag:s0] =	ssyncset.done $0x0  }
0x8a: {  	s15 =	sadd.s32 $0x500, s14;
	[sflag:s0] =	ssyncadd.s32 $0xFFFFC000  }
0x8b: {  	[tilespmem:s26], [sflag:$0x4] =	stream.indirect.gather [hbm4b:s2+s20], $0x80, s15, s20, $0xb8;
	[tilespmem:$0x1DC00] =	vst v63  }
0x8c: {  	_ =	swait.ge [sflag:s6], $0x4000  }
0x8d: {  	s15 =	rddreg [dreg:$0x6];
	[sflag:s6] =	ssyncset.done $0x0  }
0x8e: {  	[sflag:s6] =	ssyncadd.s32 $0xFFFFC000;
	s15 =	sadd.s32 s13, s15  }
0x8f: {  	[hbm4b:s15+s4] =	stream.linear.scatter [tilespmem:s29], [sflag:$0xC], $0x4000, $0x38;
	[tilespmem:$0x1DC00] =	vst v63  }
0x90: {  	_ =	swait.ge [sflag:s7], $0x4000  }
0x91: {  	[sflag:s7] =	ssyncset.done $0x0  }
0x92: {  	s15 =	sadd.s32 $0x580, s14;
	[sflag:s7] =	ssyncadd.s32 $0xFFFFC000  }
0x93: {  	[tilespmem:s29], [sflag:$0x5] =	stream.indirect.gather [hbm4b:s2+s20], $0x80, s15, s20, $0xb8;
	[tilespmem:$0x1DC00] =	vst v63  }
0x94: {  	_ =	swait.ge [sflag:s8], $0x4000  }
0x95: {  	s15 =	rddreg [dreg:$0x5];
	[sflag:s8] =	ssyncset.done $0x0  }
0x96: {  	[sflag:s8] =	ssyncadd.s32 $0xFFFFC000;
	s15 =	sadd.s32 s13, s15  }
0x97: {  	[hbm4b:s15+s4] =	stream.linear.scatter [tilespmem:s31], [sflag:$0xD], $0x4000, $0x38;
	[tilespmem:$0x1DC00] =	vst v63  }
0x98: {  	_ =	swait.ge [sflag:s9], $0x4000  }
0x99: {  	[sflag:s9] =	ssyncset.done $0x0  }
0x9a: {  	s15 =	sadd.s32 $0x600, s14;
	[sflag:s9] =	ssyncadd.s32 $0xFFFFC000  }
0x9b: {  	[tilespmem:s31], [sflag:$0x6] =	stream.indirect.gather [hbm4b:s2+s20], $0x80, s15, s20, $0xb8;
	[tilespmem:$0x1DC00] =	vst v63  }
0x9c: {  	_ =	swait.ge [sflag:s10], $0x4000  }
0x9d: {  	p0 =	sne.s32 s12, $0x4600;
	s15 =	rddreg [dreg:$0x4];
	[sflag:s10] =	ssyncset.done $0x0  }
.Ltmp0:
0x9e: {  	[sflag:s10] =	ssyncadd.s32 $0xFFFFC000;
	s15 =	sadd.s32 s13, s15;
	(pc) =	sbr.rel @p0 .LBB2_2-.Ltmp0, $4  }
0x9f: {  	[hbm4b:s15+s4] =	stream.linear.scatter [tilespmem:s1], [sflag:$0xE], $0x4000, $0x38;
	[tilespmem:$0x1DC00] =	vst v63  }
0xa0: {  	_ =	swait.ge [sflag:s5], $0x4000  }
0xa1: {  	s12 =	sadd.s32 $0xE00, s12;
	[sflag:s5] =	ssyncset.done $0x0  }
0xa2: {  	s14 =	sadd.s32 $0x680, s14;
	s13 =	sadd.s32 $0x70000, s13;
	[sflag:s5] =	ssyncadd.s32 $0xFFFFC000  }
0xa3: {  	[tilespmem:s1], [sflag:$0x7] =	stream.indirect.gather [hbm4b:s2+s20], $0x80, s14, s20, $0xb8;
	[tilespmem:$0x1DC00] =	vst v63  }
0xa4: {  	_ =	swait.ge [sflag:s16], $0x4000  }
0xa5: {  	[sflag:s16] =	ssyncset.done $0x0  }
0xa6: {  	s12 =	rddreg [dreg:$0xd];
	[sflag:s16] =	ssyncadd.s32 $0xFFFFC000  }
0xa7: {  	[hbm4b:s12+s4] =	stream.linear.scatter [tilespmem:s21], [sflag:$0x8], $0x4000, $0x38;
	[tilespmem:$0x1DC00] =	vst v63  }
0xa8: {  	_ =	swait.ge [sflag:s17], $0x4000  }
0xa9: {  	[sflag:s17] =	ssyncset.done $0x0  }
0xaa: {  	s13 =	simm.s32 $0x1880;
	[sflag:s17] =	ssyncadd.s32 $0xFFFFC000  }
0xab: {  	[tilespmem:s21], [sflag:$0x1] =	stream.indirect.gather [hbm4b:s2+s20], $0x80, s13, s20, $0xb8;
	[tilespmem:$0x1DC00] =	vst v63  }
0xac: {  	_ =	swait.ge [sflag:s18], $0x4000  }
0xad: {  	[sflag:s18] =	ssyncset.done $0x0  }
0xae: {  	s14 =	rddreg [dreg:$0xe];
	[sflag:s18] =	ssyncadd.s32 $0xFFFFC000  }
0xaf: {  	[hbm4b:s14+s4] =	stream.linear.scatter [tilespmem:s22], [sflag:$0x9], $0x4000, $0x38;
	[tilespmem:$0x1DC00] =	vst v63  }
0xb0: {  	_ =	swait.ge [sflag:s25], $0x4000  }
0xb1: {  	[sflag:s25] =	ssyncset.done $0x0  }
0xb2: {  	s15 =	rddreg [dreg:$0xf];
	[sflag:s25] =	ssyncadd.s32 $0xFFFFC000  }
0xb3: {  	[hbm4b:s15+s4] =	stream.linear.scatter [tilespmem:s24], [sflag:$0xA], $0x4000, $0x38;
	[tilespmem:$0x1DC00] =	vst v63  }
0xb4: {  	_ =	swait.ge [sflag:s30], $0x4000  }
0xb5: {  	[sflag:s30] =	ssyncset.done $0x0  }
0xb6: {  	s13 =	rddreg [dreg:$0x10];
	[sflag:s30] =	ssyncadd.s32 $0xFFFFC000  }
0xb7: {  	[hbm4b:s13+s4] =	stream.linear.scatter [tilespmem:s26], [sflag:$0xB], $0x4000, $0x38;
	[tilespmem:$0x1DC00] =	vst v63  }
0xb8: {  	_ =	swait.ge [sflag:s6], $0x4000  }
0xb9: {  	[sflag:s6] =	ssyncset.done $0x0  }
0xba: {  	s14 =	rddreg [dreg:$0x11];
	[sflag:s6] =	ssyncadd.s32 $0xFFFFC000  }
0xbb: {  	[hbm4b:s14+s4] =	stream.linear.scatter [tilespmem:s29], [sflag:$0xC], $0x4000, $0x38;
	[tilespmem:$0x1DC00] =	vst v63  }
0xbc: {  	_ =	swait.ge [sflag:s8], $0x4000  }
0xbd: {  	[sflag:s8] =	ssyncset.done $0x0  }
0xbe: {  	s15 =	rddreg [dreg:$0x12];
	[sflag:s8] =	ssyncadd.s32 $0xFFFFC000  }
0xbf: {  	[hbm4b:s15+s4] =	stream.linear.scatter [tilespmem:s31], [sflag:$0xD], $0x4000, $0x38;
	[tilespmem:$0x1DC00] =	vst v63  }
0xc0: {  	_ =	swait.ge [sflag:s10], $0x4000  }
0xc1: {  	[sflag:s10] =	ssyncset.done $0x0  }
0xc2: {  	s13 =	rddreg [dreg:$0x13];
	[sflag:s10] =	ssyncadd.s32 $0xFFFFC000  }
0xc3: {  	[hbm4b:s13+s4] =	stream.linear.scatter [tilespmem:s1], [sflag:$0xE], $0x4000, $0x38;
	[tilespmem:$0x1DC00] =	vst v63  }
0xc4: {  	_ =	swait.ge [sflag:s16], $0x4000  }
0xc5: {  	[sflag:s16] =	ssyncset.done $0x0  }
0xc6: {  	s14 =	rddreg [dreg:$0x14];
	[sflag:s16] =	ssyncadd.s32 $0xFFFFC000  }
0xc7: {  	[hbm4b:s14+s4] =	stream.linear.scatter [tilespmem:s21], [sflag:$0x8], $0x4000, $0x38;
	[tilespmem:$0x1DC00] =	vst v63  }
0xc8: {  	_ =	swait.ge [sflag:s17], $0x4000  }
0xc9: {  	[sflag:s17] =	ssyncset.done $0x0  }
0xca: {  	[sflag:s17] =	ssyncadd.s32 $0xFFFFC000  }
0xcb: {  	_ =	swait.ge [sflag:s23], $0x4000  }
0xcc: {  	[sflag:s23] =	ssyncset.done $0x0  }
0xcd: {  	[sflag:s23] =	ssyncadd.s32 $0xFFFFC000  }
0xce: {  	_ =	swait.ge [sflag:s28], $0x4000  }
0xcf: {  	[sflag:s28] =	ssyncset.done $0x0  }
0xd0: {  	[sflag:s28] =	ssyncadd.s32 $0xFFFFC000  }
0xd1: {  	_ =	swait.ge [sflag:s0], $0x4000  }
0xd2: {  	[sflag:s0] =	ssyncset.done $0x0  }
0xd3: {  	[sflag:s0] =	ssyncadd.s32 $0xFFFFC000  }
0xd4: {  	_ =	swait.ge [sflag:s7], $0x4000  }
0xd5: {  	[sflag:s7] =	ssyncset.done $0x0  }
0xd6: {  	[sflag:s7] =	ssyncadd.s32 $0xFFFFC000  }
0xd7: {  	_ =	swait.ge [sflag:s9], $0x4000  }
0xd8: {  	[sflag:s9] =	ssyncset.done $0x0  }
0xd9: {  	[sflag:s9] =	ssyncadd.s32 $0xFFFFC000  }
0xda: {  	_ =	swait.ge [sflag:s5], $0x4000  }
0xdb: {  	s11 =	sadd.s32 $0x1, s11;
	s15 =	rddreg [dreg:$0x15]  }
0xdc: {  	p0 =	sne.s32 s11, s15  }
.Ltmp1:
0xdd: {  	_ = 	snop;
	(pc) =	sbr.rel @p0 .LBB2_1-.Ltmp1, $3  }
0xde: {  	_ =	sdelay $0x1  }
0xdf: {  	[sflag:s5] =	ssyncset.done $0x0  }
0xe0: {  	[sflag:s5] =	ssyncadd.s32 $0xFFFFC000  }
0xe1: {  	_ =	sfence.sel $0x180000  }
0xe2: {  	[bflag:$0x0] =	sbarrier.arrive $0xFFFF  }
0xe3: {  	_ =	strace $0x90000047  }
0xe4: {  	s0 =	stileid.u32;
	[bflag:$0x2] =	sbarrier.arrive $0xFFFF  }
0xe5: {  	p0 =	sne.s32 s0, $0x0;
	s0 =	rddreg [dreg:$0x3]  }
0xe6: {  	s0 =	sadd.s32 @!p0 $0x100000, s0  }
0xe7: {  	[sflag:s0] =	ssyncadd.tile.s32 @!p0 $0x1;
	_ =	shalt  }
.Lfunc_end2:
_tile_overlayer_lowered:
.L_overlay_start_2:
0xe8: {  	(tag) =	ssettag $0x2  }
0xe9: {  	s0 =	rddreg [dreg:$0x0];
	s2 =	stileid.u32  }
0xea: {  	s1 =	rddreg [dreg:$0x1];
	p0 =	sne.s32 s2, $0x0  }
0xeb: {  	s3 =	rddreg [dreg:$0x2];
	[bflag:$0x3] =	sbarrier.arrive $0xFFFF;
	s2 =	simm.s32 @!p0 $0x1C0F  }
0xec: {  	[timem:s3], [sflag:s2] =	dma.local @!p0 [hbm:s0], s1  }
0xed: {  	s0 =	simm.s32 @!p0 $0xF  }
0xee: {  	_ =	swait.ge @!p0 [sflag:s0], s1  }
0xef: {  	s1 =	ssub.s32 @!p0 $0x0, s1;
	[sflag:s0] =	ssyncset.done @!p0 $0x0  }
0xf0: {  	[sflag:s0] =	ssyncadd.s32 @!p0 s1  }
0xf1: {  	[bflag:$0x3] =	sbarrier.arrive $0xFFFF  }
0xf2: {  	_ =	shalt  }

</sc_bundles>
